<compile_context>
chip_gen: v7x
topology: tpu7x:2x2x1
jax: 0.10.2.dev20260603
libtpu: 0.0.44.dev20260713+nightly
codegen_flags: <defaults>
</compile_context>

<pallas_src>
import functools

import jax
import jax.numpy as jnp
from jax import lax
from jax.experimental import pallas as pl
from jax.experimental.pallas import tpu as pltpu
from jax.experimental.pallas import tpu_sc as plsc

BATCH = 4
SEQ = 2048
EMBED = 64
TOTAL = BATCH * SEQ


def _sc_dims():
    try:
        info = plsc.get_sparse_core_info()
        return info.num_cores, info.num_subcores
    except Exception:
        return 2, 16


@functools.cache
def _build():
    nc, ns = _sc_dims()
    nw = nc * ns
    bpw = TOTAL // nw
    assert TOTAL % nw == 0 and SEQ % bpw == 0
    mesh = plsc.VectorSubcoreMesh(core_axis_name="c", subcore_axis_name="s")

    @functools.partial(
        pl.kernel,
        mesh=mesh,
        out_type=jax.ShapeDtypeStruct((BATCH, SEQ, EMBED), jnp.float32),
        scratch_types=[
            pltpu.VMEM((bpw,), jnp.int32),
            pltpu.VMEM((bpw, EMBED), jnp.float32),
            pltpu.VMEM((bpw, EMBED), jnp.float32),
            pltpu.SemaphoreType.DMA,
        ],
        compiler_params=pltpu.CompilerParams(use_tc_tiling_on_sc=False),
    )
    def emb(x_hbm, tok_hbm, pos_hbm, out_hbm, idx_v, tok_v, pos_v, sem):
        wid = lax.axis_index("s") * nc + lax.axis_index("c")
        base = wid * bpw
        bidx = base // SEQ
        pos0 = base % SEQ
        half = bpw // 2
        pltpu.sync_copy(x_hbm.at[bidx, pl.ds(pos0, bpw)], idx_v)
        g0 = pltpu.async_copy(
            tok_hbm.at[idx_v.at[pl.ds(0, half)]], tok_v.at[pl.ds(0, half)], sem
        )
        g1 = pltpu.async_copy(
            tok_hbm.at[idx_v.at[pl.ds(half, half)]],
            tok_v.at[pl.ds(half, half)],
            sem,
        )
        pltpu.sync_copy(pos_hbm.at[pl.ds(pos0, bpw)], pos_v)

        def row_add(r, carry):
            for c in range(0, EMBED, 16):
                tok_v[r, pl.ds(c, 16)] = (
                    tok_v[r, pl.ds(c, 16)] + pos_v[r, pl.ds(c, 16)]
                )
            return carry

        g0.wait()
        lax.fori_loop(0, half, row_add, 0, unroll=4)
        g1.wait()
        lax.fori_loop(half, bpw, row_add, 0, unroll=4)
        pltpu.sync_copy(tok_v, out_hbm.at[bidx, pl.ds(pos0, bpw)])

    return emb


def kernel(x, tok_table, pos_table):
    return _build()(x.astype(jnp.int32), tok_table, pos_table)

# --- scband reference (transcript-rebuilt; emitter-appended) ---
"""Pipeline reference for scband-gptembedding-33337536151969 (READ-ONLY COPY).

The authoritative reference and input builder live on the scoring server;
editing this copy changes nothing except your own understanding.
"""

import jax, jax.numpy as jnp
import numpy as np

VOCAB_SIZE = 100000
EMBED_DIM = 64
MAX_SEQ_LEN = 2048
BATCH = 4
SEQ_LEN = 2048

def setup_inputs(seed: int = 0) -> dict:
    key = jax.random.key(seed)
    k1, k2, k3 = jax.random.split(key, 3)
    x = jax.random.randint(k1, (BATCH, SEQ_LEN), 0, VOCAB_SIZE, dtype=jnp.int64 if jax.config.jax_enable_x64 else jnp.int32)
    tok_table = jax.random.normal(k2, (VOCAB_SIZE, EMBED_DIM), dtype=jnp.float32) * 0.02
    pos_table = jax.random.normal(k3, (MAX_SEQ_LEN, EMBED_DIM), dtype=jnp.float32) * 0.02
    return {"x": x, "tok_table": tok_table, "pos_table": pos_table}

def reference(x, tok_table, pos_table):
    batch_size, seq_length = x.shape
    # token embedding lookup (gather)
    token_emb = jnp.take(tok_table, x, axis=0)
    # positional indices expanded across the batch
    pos = jnp.broadcast_to(jnp.arange(seq_length)[None, :], (batch_size, seq_length))
    token_pos = jnp.take(pos_table, pos, axis=0)
    embeddings = token_emb + token_pos
    return embeddings

if __name__ == "__main__":
    import jax
    _d = setup_inputs()
    print(jax.jit(kernel)(*tuple(_d.values())))

</pallas_src>

<mosaic_0001>
#map = affine_map<(d0, d1) -> (0, 0)>
#map1 = affine_map<(d0, d1) -> (0, 0, 0)>
module attributes {stable_mosaic.version = 14 : i64} {
  func.func @emb(%arg0: i32, %arg1: i32, %arg2: memref<4x2048xi32, #tpu.memory_space<hbm>>, %arg3: memref<100000x64xf32, #tpu.memory_space<hbm>>, %arg4: memref<2048x64xf32, #tpu.memory_space<hbm>>, %arg5: memref<4x2048x64xf32, #tpu.memory_space<hbm>>, %arg6: memref<256xi32, #tpu.memory_space<vmem>>, %arg7: memref<256x64xf32, #tpu.memory_space<vmem>>, %arg8: memref<256x64xf32, #tpu.memory_space<vmem>>, %arg9: memref<!tpu.dma_semaphore, #tpu.memory_space<semaphore_mem>>) attributes {dimension_semantics = [#tpu.dimension_semantics<core_parallel>, #tpu.dimension_semantics<subcore_parallel>], iteration_bounds = array<i64: 2, 16>, scalar_prefetch = 0 : i64, scratch_operands = 4 : i64, tpu.core_type = #tpu.core_type<sc_vector_subcore>, window_params = [{transform_indices = #map}, {transform_indices = #map}, {transform_indices = #map}, {transform_indices = #map1}]} {
    %mul3A = arith.constant 2 : i32
    %mul3A_0 = arith.muli %arg1, %mul3A : i32
    %add3A = arith.addi %mul3A_0, %arg0 : i32
    %mul3A_1 = arith.constant 256 : i32
    %mul3A_2 = arith.muli %add3A, %mul3A_1 : i32
    %jit3A = arith.constant 2048 : i32
    %div3A = arith.divsi %mul3A_2, %jit3A : i32
    %sign3A = arith.constant 0 : i32
    %sign3A_3 = arith.cmpi sgt, %mul3A_2, %sign3A : i32
    %sign3A_4 = arith.extui %sign3A_3 : i1 to i32
    %sign3A_5 = arith.constant 0 : i32
    %sign3A_6 = arith.cmpi slt, %mul3A_2, %sign3A_5 : i32
    %sign3A_7 = arith.extui %sign3A_6 : i1 to i32
    %sign3A_8 = arith.subi %sign3A_4, %sign3A_7 : i32
    %sign3A_9 = arith.constant 0 : i32
    %sign3A_10 = arith.cmpi sgt, %jit3A, %sign3A_9 : i32
    %sign3A_11 = arith.extui %sign3A_10 : i1 to i32
    %sign3A_12 = arith.constant 0 : i32
    %sign3A_13 = arith.cmpi slt, %jit3A, %sign3A_12 : i32
    %sign3A_14 = arith.extui %sign3A_13 : i1 to i32
    %sign3A_15 = arith.subi %sign3A_11, %sign3A_14 : i32
    %ne3A = arith.cmpi ne, %sign3A_8, %sign3A_15 : i32
    %rem3A = arith.remsi %mul3A_2, %jit3A : i32
    %ne3A_16 = arith.constant 0 : i32
    %ne3A_17 = arith.cmpi ne, %rem3A, %ne3A_16 : i32
    %and3A = arith.andi %ne3A, %ne3A_17 : i1
    %sub3A = arith.constant 1 : i32
    %sub3A_18 = arith.subi %div3A, %sub3A : i32
    %select_n3A = arith.select %and3A, %sub3A_18, %div3A : i32
    %jit3A_19 = arith.constant 2048 : i32
    %eq3A = arith.constant 0 : i32
    %eq3A_20 = arith.cmpi eq, %jit3A_19, %eq3A : i32
    %jit3A_21 = arith.constant 1 : i32
    %select_n3A_22 = arith.select %eq3A_20, %jit3A_21, %jit3A_19 : i32
    %rem3A_23 = arith.remsi %mul3A_2, %select_n3A_22 : i32
    %ne3A_24 = arith.constant 0 : i32
    %ne3A_25 = arith.cmpi ne, %rem3A_23, %ne3A_24 : i32
    %lt3A = arith.constant 0 : i32
    %lt3A_26 = arith.cmpi slt, %rem3A_23, %lt3A : i32
    %lt3A_27 = arith.constant 0 : i32
    %lt3A_28 = arith.cmpi slt, %select_n3A_22, %lt3A_27 : i32
    %ne3A_29 = arith.xori %lt3A_26, %lt3A_28 : i1
    %and3A_30 = arith.andi %ne3A_29, %ne3A_25 : i1
    %add3A_31 = arith.addi %rem3A_23, %select_n3A_22 : i32
    %select_n3A_32 = arith.select %and3A_30, %add3A_31, %rem3A_23 : i32
    "tpu.region"() ({
      %run_scoped3A = tpu.sem_alloc : memref<!tpu.dma_semaphore, #tpu.memory_space<semaphore_mem>>
      %dma_start3A_74 = tpu.memref_slice %arg2[%select_n3A, %select_n3A_32] : memref<4x2048xi32, #tpu.memory_space<hbm>> -> memref<1x256xi32, #tpu.memory_space<hbm>>
      %dma_start3A_75 = tpu.memref_squeeze %dma_start3A_74 : memref<1x256xi32, #tpu.memory_space<hbm>> -> memref<256xi32, #tpu.memory_space<hbm>>
      %dma_start3A_76 = tpu.memref_slice %arg2[%select_n3A, %select_n3A_32] : memref<4x2048xi32, #tpu.memory_space<hbm>> -> memref<1x256xi32, #tpu.memory_space<hbm>>
      %dma_start3A_77 = tpu.memref_squeeze %dma_start3A_76 : memref<1x256xi32, #tpu.memory_space<hbm>> -> memref<256xi32, #tpu.memory_space<hbm>>
      tpu.enqueue_dma source(%dma_start3A_77 : memref<256xi32, #tpu.memory_space<hbm>>) target(%arg6 : memref<256xi32, #tpu.memory_space<vmem>>) target_semaphore(%run_scoped3A : memref<!tpu.dma_semaphore, #tpu.memory_space<semaphore_mem>>)
      %dma_wait3A_78 = tpu.memref_slice %arg2[%select_n3A, %select_n3A_32] : memref<4x2048xi32, #tpu.memory_space<hbm>> -> memref<1x256xi32, #tpu.memory_space<hbm>>
      %dma_wait3A_79 = tpu.memref_squeeze %dma_wait3A_78 : memref<1x256xi32, #tpu.memory_space<hbm>> -> memref<256xi32, #tpu.memory_space<hbm>>
      %dma_wait3A_80 = tpu.memref_slice %arg2[%select_n3A, %select_n3A_32] : memref<4x2048xi32, #tpu.memory_space<hbm>> -> memref<1x256xi32, #tpu.memory_space<hbm>>
      %dma_wait3A_81 = tpu.memref_squeeze %dma_wait3A_80 : memref<1x256xi32, #tpu.memory_space<hbm>> -> memref<256xi32, #tpu.memory_space<hbm>>
      tpu.wait_dma2 semaphore(%run_scoped3A : memref<!tpu.dma_semaphore, #tpu.memory_space<semaphore_mem>>) src(%dma_wait3A_81 : memref<256xi32, #tpu.memory_space<hbm>>) dst(%arg6 : memref<256xi32, #tpu.memory_space<vmem>>)
      tpu.yield
    }) : () -> ()
    %dma_start3A = arith.constant 0 : i32
    %dma_start3A_33 = arith.constant 0 : i32
    %dma_start3A_34 = tpu.memref_slice %arg7[%dma_start3A, %dma_start3A_33] : memref<256x64xf32, #tpu.memory_space<vmem>> -> memref<128x64xf32, #tpu.memory_space<vmem>>
    %dma_start3A_35 = arith.constant 0 : i32
    %dma_start3A_36 = tpu.memref_slice %arg6[%dma_start3A_35] : memref<256xi32, #tpu.memory_space<vmem>> -> memref<128xi32, #tpu.memory_space<vmem>>
    %dma_start3A_37 = arith.constant 0 : i32
    %dma_start3A_38 = arith.constant 0 : i32
    %dma_start3A_39 = tpu.memref_slice %arg3[%dma_start3A_37, %dma_start3A_38] : memref<100000x64xf32, #tpu.memory_space<hbm>> -> memref<100000x64xf32, #tpu.memory_space<hbm>>
    tpu.enqueue_indirect_dma source(%dma_start3A_39 : memref<100000x64xf32, #tpu.memory_space<hbm>>) target(%dma_start3A_34 : memref<128x64xf32, #tpu.memory_space<vmem>>) offsets(%dma_start3A_36 : memref<128xi32, #tpu.memory_space<vmem>>) semaphore(%arg9 : memref<!tpu.dma_semaphore, #tpu.memory_space<semaphore_mem>>)
    %dma_start3A_40 = arith.constant 128 : i32
    %dma_start3A_41 = arith.constant 0 : i32
    %dma_start3A_42 = tpu.memref_slice %arg7[%dma_start3A_40, %dma_start3A_41] : memref<256x64xf32, #tpu.memory_space<vmem>> -> memref<128x64xf32, #tpu.memory_space<vmem>>
    %dma_start3A_43 = arith.constant 128 : i32
    %dma_start3A_44 = tpu.memref_slice %arg6[%dma_start3A_43] : memref<256xi32, #tpu.memory_space<vmem>> -> memref<128xi32, #tpu.memory_space<vmem>>
    %dma_start3A_45 = arith.constant 0 : i32
    %dma_start3A_46 = arith.constant 0 : i32
    %dma_start3A_47 = tpu.memref_slice %arg3[%dma_start3A_45, %dma_start3A_46] : memref<100000x64xf32, #tpu.memory_space<hbm>> -> memref<100000x64xf32, #tpu.memory_space<hbm>>
    tpu.enqueue_indirect_dma source(%dma_start3A_47 : memref<100000x64xf32, #tpu.memory_space<hbm>>) target(%dma_start3A_42 : memref<128x64xf32, #tpu.memory_space<vmem>>) offsets(%dma_start3A_44 : memref<128xi32, #tpu.memory_space<vmem>>) semaphore(%arg9 : memref<!tpu.dma_semaphore, #tpu.memory_space<semaphore_mem>>)
    "tpu.region"() ({
      %run_scoped3A = tpu.sem_alloc : memref<!tpu.dma_semaphore, #tpu.memory_space<semaphore_mem>>
      %dma_start3A_74 = arith.constant 0 : i32
      %dma_start3A_75 = tpu.memref_slice %arg4[%select_n3A_32, %dma_start3A_74] : memref<2048x64xf32, #tpu.memory_space<hbm>> -> memref<256x64xf32, #tpu.memory_space<hbm>>
      %dma_start3A_76 = arith.constant 0 : i32
      %dma_start3A_77 = tpu.memref_slice %arg4[%select_n3A_32, %dma_start3A_76] : memref<2048x64xf32, #tpu.memory_space<hbm>> -> memref<256x64xf32, #tpu.memory_space<hbm>>
      tpu.enqueue_dma source(%dma_start3A_77 : memref<256x64xf32, #tpu.memory_space<hbm>>) target(%arg8 : memref<256x64xf32, #tpu.memory_space<vmem>>) target_semaphore(%run_scoped3A : memref<!tpu.dma_semaphore, #tpu.memory_space<semaphore_mem>>)
      %dma_wait3A_78 = arith.constant 0 : i32
      %dma_wait3A_79 = tpu.memref_slice %arg4[%select_n3A_32, %dma_wait3A_78] : memref<2048x64xf32, #tpu.memory_space<hbm>> -> memref<256x64xf32, #tpu.memory_space<hbm>>
      %dma_wait3A_80 = arith.constant 0 : i32
      %dma_wait3A_81 = tpu.memref_slice %arg4[%select_n3A_32, %dma_wait3A_80] : memref<2048x64xf32, #tpu.memory_space<hbm>> -> memref<256x64xf32, #tpu.memory_space<hbm>>
      tpu.wait_dma2 semaphore(%run_scoped3A : memref<!tpu.dma_semaphore, #tpu.memory_space<semaphore_mem>>) src(%dma_wait3A_81 : memref<256x64xf32, #tpu.memory_space<hbm>>) dst(%arg8 : memref<256x64xf32, #tpu.memory_space<vmem>>)
      tpu.yield
    }) : () -> ()
    %dma_wait3A = arith.constant 0 : i32
    %dma_wait3A_48 = arith.constant 0 : i32
    %dma_wait3A_49 = tpu.memref_slice %arg7[%dma_wait3A, %dma_wait3A_48] : memref<256x64xf32, #tpu.memory_space<vmem>> -> memref<128x64xf32, #tpu.memory_space<vmem>>
    %dma_wait3A_50 = arith.constant 0 : i32
    %dma_wait3A_51 = tpu.memref_slice %arg6[%dma_wait3A_50] : memref<256xi32, #tpu.memory_space<vmem>> -> memref<128xi32, #tpu.memory_space<vmem>>
    %dma_wait3A_52 = arith.constant 0 : i32
    %dma_wait3A_53 = arith.constant 0 : i32
    %dma_wait3A_54 = tpu.memref_slice %arg3[%dma_wait3A_52, %dma_wait3A_53] : memref<100000x64xf32, #tpu.memory_space<hbm>> -> memref<100000x64xf32, #tpu.memory_space<hbm>>
    tpu.wait_indirect_dma semaphore(%arg9 : memref<!tpu.dma_semaphore, #tpu.memory_space<semaphore_mem>>) src(%dma_wait3A_54 : memref<100000x64xf32, #tpu.memory_space<hbm>>) dst(%dma_wait3A_49 : memref<128x64xf32, #tpu.memory_space<vmem>>)
    %scan3A = arith.constant 0 : i32
    %scan3A_55 = arith.constant 0 : i32
    %scan3A_56 = arith.constant 128 : i32
    %scan3A_57 = arith.addi %scan3A_55, %scan3A_56 : i32
    %scan3A_58 = arith.constant 4 : i32
    scf.for %scan3A_74 = %scan3A_55 to %scan3A_57 step %scan3A_58  : i32 {
      %get3A = arith.index_cast %scan3A_74 : i32 to index
      %get3A_75 = arith.constant 0 : index
      %get3A_76 = tpu.vector_load %arg7[%get3A, %get3A_75] {strides = array<i32>} : memref<256x64xf32, #tpu.memory_space<vmem>>, vector<1x16xf32>,
      %get3A_77 = vector.shape_cast %get3A_76 : vector<1x16xf32> to vector<16xf32>
      %get3A_78 = arith.index_cast %scan3A_74 : i32 to index
      %get3A_79 = arith.constant 0 : index
      %get3A_80 = tpu.vector_load %arg8[%get3A_78, %get3A_79] {strides = array<i32>} : memref<256x64xf32, #tpu.memory_space<vmem>>, vector<1x16xf32>,
      %get3A_81 = vector.shape_cast %get3A_80 : vector<1x16xf32> to vector<16xf32>
      %add3A_82 = arith.addf %get3A_77, %get3A_81 : vector<16xf32>
      %swap3A = arith.index_cast %scan3A_74 : i32 to index
      %swap3A_83 = arith.constant 0 : index
      %swap3A_84 = tpu.vector_load %arg7[%swap3A, %swap3A_83] {strides = array<i32>} : memref<256x64xf32, #tpu.memory_space<vmem>>, vector<1x16xf32>,
      %swap3A_85 = vector.shape_cast %swap3A_84 : vector<1x16xf32> to vector<16xf32>
      %swap3A_86 = vector.shape_cast %add3A_82 : vector<16xf32> to vector<1x16xf32>
      tpu.vector_store %arg7[%swap3A, %swap3A_83], %swap3A_86 {strides = array<i32>} : memref<256x64xf32, #tpu.memory_space<vmem>>, vector<1x16xf32>,
      %get3A_87 = arith.index_cast %scan3A_74 : i32 to index
      %get3A_88 = arith.constant 16 : index
      %get3A_89 = tpu.vector_load %arg7[%get3A_87, %get3A_88] {strides = array<i32>} : memref<256x64xf32, #tpu.memory_space<vmem>>, vector<1x16xf32>,
      %get3A_90 = vector.shape_cast %get3A_89 : vector<1x16xf32> to vector<16xf32>
      %get3A_91 = arith.index_cast %scan3A_74 : i32 to index
      %get3A_92 = arith.constant 16 : index
      %get3A_93 = tpu.vector_load %arg8[%get3A_91, %get3A_92] {strides = array<i32>} : memref<256x64xf32, #tpu.memory_space<vmem>>, vector<1x16xf32>,
      %get3A_94 = vector.shape_cast %get3A_93 : vector<1x16xf32> to vector<16xf32>
      %add3A_95 = arith.addf %get3A_90, %get3A_94 : vector<16xf32>
      %swap3A_96 = arith.index_cast %scan3A_74 : i32 to index
      %swap3A_97 = arith.constant 16 : index
      %swap3A_98 = tpu.vector_load %arg7[%swap3A_96, %swap3A_97] {strides = array<i32>} : memref<256x64xf32, #tpu.memory_space<vmem>>, vector<1x16xf32>,
      %swap3A_99 = vector.shape_cast %swap3A_98 : vector<1x16xf32> to vector<16xf32>
      %swap3A_100 = vector.shape_cast %add3A_95 : vector<16xf32> to vector<1x16xf32>
      tpu.vector_store %arg7[%swap3A_96, %swap3A_97], %swap3A_100 {strides = array<i32>} : memref<256x64xf32, #tpu.memory_space<vmem>>, vector<1x16xf32>,
      %get3A_101 = arith.index_cast %scan3A_74 : i32 to index
      %get3A_102 = arith.constant 32 : index
      %get3A_103 = tpu.vector_load %arg7[%get3A_101, %get3A_102] {strides = array<i32>} : memref<256x64xf32, #tpu.memory_space<vmem>>, vector<1x16xf32>,
      %get3A_104 = vector.shape_cast %get3A_103 : vector<1x16xf32> to vector<16xf32>
      %get3A_105 = arith.index_cast %scan3A_74 : i32 to index
      %get3A_106 = arith.constant 32 : index
      %get3A_107 = tpu.vector_load %arg8[%get3A_105, %get3A_106] {strides = array<i32>} : memref<256x64xf32, #tpu.memory_space<vmem>>, vector<1x16xf32>,
      %get3A_108 = vector.shape_cast %get3A_107 : vector<1x16xf32> to vector<16xf32>
      %add3A_109 = arith.addf %get3A_104, %get3A_108 : vector<16xf32>
      %swap3A_110 = arith.index_cast %scan3A_74 : i32 to index
      %swap3A_111 = arith.constant 32 : index
      %swap3A_112 = tpu.vector_load %arg7[%swap3A_110, %swap3A_111] {strides = array<i32>} : memref<256x64xf32, #tpu.memory_space<vmem>>, vector<1x16xf32>,
      %swap3A_113 = vector.shape_cast %swap3A_112 : vector<1x16xf32> to vector<16xf32>
      %swap3A_114 = vector.shape_cast %add3A_109 : vector<16xf32> to vector<1x16xf32>
      tpu.vector_store %arg7[%swap3A_110, %swap3A_111], %swap3A_114 {strides = array<i32>} : memref<256x64xf32, #tpu.memory_space<vmem>>, vector<1x16xf32>,
      %get3A_115 = arith.index_cast %scan3A_74 : i32 to index
      %get3A_116 = arith.constant 48 : index
      %get3A_117 = tpu.vector_load %arg7[%get3A_115, %get3A_116] {strides = array<i32>} : memref<256x64xf32, #tpu.memory_space<vmem>>, vector<1x16xf32>,
      %get3A_118 = vector.shape_cast %get3A_117 : vector<1x16xf32> to vector<16xf32>
      %get3A_119 = arith.index_cast %scan3A_74 : i32 to index
      %get3A_120 = arith.constant 48 : index
      %get3A_121 = tpu.vector_load %arg8[%get3A_119, %get3A_120] {strides = array<i32>} : memref<256x64xf32, #tpu.memory_space<vmem>>, vector<1x16xf32>,
      %get3A_122 = vector.shape_cast %get3A_121 : vector<1x16xf32> to vector<16xf32>
      %add3A_123 = arith.addf %get3A_118, %get3A_122 : vector<16xf32>
      %swap3A_124 = arith.index_cast %scan3A_74 : i32 to index
      %swap3A_125 = arith.constant 48 : index
      %swap3A_126 = tpu.vector_load %arg7[%swap3A_124, %swap3A_125] {strides = array<i32>} : memref<256x64xf32, #tpu.memory_space<vmem>>, vector<1x16xf32>,
      %swap3A_127 = vector.shape_cast %swap3A_126 : vector<1x16xf32> to vector<16xf32>
      %swap3A_128 = vector.shape_cast %add3A_123 : vector<16xf32> to vector<1x16xf32>
      tpu.vector_store %arg7[%swap3A_124, %swap3A_125], %swap3A_128 {strides = array<i32>} : memref<256x64xf32, #tpu.memory_space<vmem>>, vector<1x16xf32>,
      %scan3A_129 = arith.constant 1 : i32
      %scan3A_130 = arith.addi %scan3A_74, %scan3A_129 : i32
      %get3A_131 = arith.index_cast %scan3A_130 : i32 to index
      %get3A_132 = arith.constant 0 : index
      %get3A_133 = tpu.vector_load %arg7[%get3A_131, %get3A_132] {strides = array<i32>} : memref<256x64xf32, #tpu.memory_space<vmem>>, vector<1x16xf32>,
      %get3A_134 = vector.shape_cast %get3A_133 : vector<1x16xf32> to vector<16xf32>
      %get3A_135 = arith.index_cast %scan3A_130 : i32 to index
      %get3A_136 = arith.constant 0 : index
      %get3A_137 = tpu.vector_load %arg8[%get3A_135, %get3A_136] {strides = array<i32>} : memref<256x64xf32, #tpu.memory_space<vmem>>, vector<1x16xf32>,
      %get3A_138 = vector.shape_cast %get3A_137 : vector<1x16xf32> to vector<16xf32>
      %add3A_139 = arith.addf %get3A_134, %get3A_138 : vector<16xf32>
      %swap3A_140 = arith.index_cast %scan3A_130 : i32 to index
      %swap3A_141 = arith.constant 0 : index
      %swap3A_142 = tpu.vector_load %arg7[%swap3A_140, %swap3A_141] {strides = array<i32>} : memref<256x64xf32, #tpu.memory_space<vmem>>, vector<1x16xf32>,
      %swap3A_143 = vector.shape_cast %swap3A_142 : vector<1x16xf32> to vector<16xf32>
      %swap3A_144 = vector.shape_cast %add3A_139 : vector<16xf32> to vector<1x16xf32>
      tpu.vector_store %arg7[%swap3A_140, %swap3A_141], %swap3A_144 {strides = array<i32>} : memref<256x64xf32, #tpu.memory_space<vmem>>, vector<1x16xf32>,
      %get3A_145 = arith.index_cast %scan3A_130 : i32 to index
      %get3A_146 = arith.constant 16 : index
      %get3A_147 = tpu.vector_load %arg7[%get3A_145, %get3A_146] {strides = array<i32>} : memref<256x64xf32, #tpu.memory_space<vmem>>, vector<1x16xf32>,
      %get3A_148 = vector.shape_cast %get3A_147 : vector<1x16xf32> to vector<16xf32>
      %get3A_149 = arith.index_cast %scan3A_130 : i32 to index
      %get3A_150 = arith.constant 16 : index
      %get3A_151 = tpu.vector_load %arg8[%get3A_149, %get3A_150] {strides = array<i32>} : memref<256x64xf32, #tpu.memory_space<vmem>>, vector<1x16xf32>,
      %get3A_152 = vector.shape_cast %get3A_151 : vector<1x16xf32> to vector<16xf32>
      %add3A_153 = arith.addf %get3A_148, %get3A_152 : vector<16xf32>
      %swap3A_154 = arith.index_cast %scan3A_130 : i32 to index
      %swap3A_155 = arith.constant 16 : index
      %swap3A_156 = tpu.vector_load %arg7[%swap3A_154, %swap3A_155] {strides = array<i32>} : memref<256x64xf32, #tpu.memory_space<vmem>>, vector<1x16xf32>,
      %swap3A_157 = vector.shape_cast %swap3A_156 : vector<1x16xf32> to vector<16xf32>
      %swap3A_158 = vector.shape_cast %add3A_153 : vector<16xf32> to vector<1x16xf32>
      tpu.vector_store %arg7[%swap3A_154, %swap3A_155], %swap3A_158 {strides = array<i32>} : memref<256x64xf32, #tpu.memory_space<vmem>>, vector<1x16xf32>,
      %get3A_159 = arith.index_cast %scan3A_130 : i32 to index
      %get3A_160 = arith.constant 32 : index
      %get3A_161 = tpu.vector_load %arg7[%get3A_159, %get3A_160] {strides = array<i32>} : memref<256x64xf32, #tpu.memory_space<vmem>>, vector<1x16xf32>,
      %get3A_162 = vector.shape_cast %get3A_161 : vector<1x16xf32> to vector<16xf32>
      %get3A_163 = arith.index_cast %scan3A_130 : i32 to index
      %get3A_164 = arith.constant 32 : index
      %get3A_165 = tpu.vector_load %arg8[%get3A_163, %get3A_164] {strides = array<i32>} : memref<256x64xf32, #tpu.memory_space<vmem>>, vector<1x16xf32>,
      %get3A_166 = vector.shape_cast %get3A_165 : vector<1x16xf32> to vector<16xf32>
      %add3A_167 = arith.addf %get3A_162, %get3A_166 : vector<16xf32>
      %swap3A_168 = arith.index_cast %scan3A_130 : i32 to index
      %swap3A_169 = arith.constant 32 : index
      %swap3A_170 = tpu.vector_load %arg7[%swap3A_168, %swap3A_169] {strides = array<i32>} : memref<256x64xf32, #tpu.memory_space<vmem>>, vector<1x16xf32>,
      %swap3A_171 = vector.shape_cast %swap3A_170 : vector<1x16xf32> to vector<16xf32>
      %swap3A_172 = vector.shape_cast %add3A_167 : vector<16xf32> to vector<1x16xf32>
      tpu.vector_store %arg7[%swap3A_168, %swap3A_169], %swap3A_172 {strides = array<i32>} : memref<256x64xf32, #tpu.memory_space<vmem>>, vector<1x16xf32>,
      %get3A_173 = arith.index_cast %scan3A_130 : i32 to index
      %get3A_174 = arith.constant 48 : index
      %get3A_175 = tpu.vector_load %arg7[%get3A_173, %get3A_174] {strides = array<i32>} : memref<256x64xf32, #tpu.memory_space<vmem>>, vector<1x16xf32>,
      %get3A_176 = vector.shape_cast %get3A_175 : vector<1x16xf32> to vector<16xf32>
      %get3A_177 = arith.index_cast %scan3A_130 : i32 to index
      %get3A_178 = arith.constant 48 : index
      %get3A_179 = tpu.vector_load %arg8[%get3A_177, %get3A_178] {strides = array<i32>} : memref<256x64xf32, #tpu.memory_space<vmem>>, vector<1x16xf32>,
      %get3A_180 = vector.shape_cast %get3A_179 : vector<1x16xf32> to vector<16xf32>
      %add3A_181 = arith.addf %get3A_176, %get3A_180 : vector<16xf32>
      %swap3A_182 = arith.index_cast %scan3A_130 : i32 to index
      %swap3A_183 = arith.constant 48 : index
      %swap3A_184 = tpu.vector_load %arg7[%swap3A_182, %swap3A_183] {strides = array<i32>} : memref<256x64xf32, #tpu.memory_space<vmem>>, vector<1x16xf32>,
      %swap3A_185 = vector.shape_cast %swap3A_184 : vector<1x16xf32> to vector<16xf32>
      %swap3A_186 = vector.shape_cast %add3A_181 : vector<16xf32> to vector<1x16xf32>
      tpu.vector_store %arg7[%swap3A_182, %swap3A_183], %swap3A_186 {strides = array<i32>} : memref<256x64xf32, #tpu.memory_space<vmem>>, vector<1x16xf32>,
      %scan3A_187 = arith.constant 2 : i32
      %scan3A_188 = arith.addi %scan3A_74, %scan3A_187 : i32
      %get3A_189 = arith.index_cast %scan3A_188 : i32 to index
      %get3A_190 = arith.constant 0 : index
      %get3A_191 = tpu.vector_load %arg7[%get3A_189, %get3A_190] {strides = array<i32>} : memref<256x64xf32, #tpu.memory_space<vmem>>, vector<1x16xf32>,
      %get3A_192 = vector.shape_cast %get3A_191 : vector<1x16xf32> to vector<16xf32>
      %get3A_193 = arith.index_cast %scan3A_188 : i32 to index
      %get3A_194 = arith.constant 0 : index
      %get3A_195 = tpu.vector_load %arg8[%get3A_193, %get3A_194] {strides = array<i32>} : memref<256x64xf32, #tpu.memory_space<vmem>>, vector<1x16xf32>,
      %get3A_196 = vector.shape_cast %get3A_195 : vector<1x16xf32> to vector<16xf32>
      %add3A_197 = arith.addf %get3A_192, %get3A_196 : vector<16xf32>
      %swap3A_198 = arith.index_cast %scan3A_188 : i32 to index
      %swap3A_199 = arith.constant 0 : index
      %swap3A_200 = tpu.vector_load %arg7[%swap3A_198, %swap3A_199] {strides = array<i32>} : memref<256x64xf32, #tpu.memory_space<vmem>>, vector<1x16xf32>,
      %swap3A_201 = vector.shape_cast %swap3A_200 : vector<1x16xf32> to vector<16xf32>
      %swap3A_202 = vector.shape_cast %add3A_197 : vector<16xf32> to vector<1x16xf32>
      tpu.vector_store %arg7[%swap3A_198, %swap3A_199], %swap3A_202 {strides = array<i32>} : memref<256x64xf32, #tpu.memory_space<vmem>>, vector<1x16xf32>,
      %get3A_203 = arith.index_cast %scan3A_188 : i32 to index
      %get3A_204 = arith.constant 16 : index
      %get3A_205 = tpu.vector_load %arg7[%get3A_203, %get3A_204] {strides = array<i32>} : memref<256x64xf32, #tpu.memory_space<vmem>>, vector<1x16xf32>,
      %get3A_206 = vector.shape_cast %get3A_205 : vector<1x16xf32> to vector<16xf32>
      %get3A_207 = arith.index_cast %scan3A_188 : i32 to index
      %get3A_208 = arith.constant 16 : index
      %get3A_209 = tpu.vector_load %arg8[%get3A_207, %get3A_208] {strides = array<i32>} : memref<256x64xf32, #tpu.memory_space<vmem>>, vector<1x16xf32>,
      %get3A_210 = vector.shape_cast %get3A_209 : vector<1x16xf32> to vector<16xf32>
      %add3A_211 = arith.addf %get3A_206, %get3A_210 : vector<16xf32>
      %swap3A_212 = arith.index_cast %scan3A_188 : i32 to index
      %swap3A_213 = arith.constant 16 : index
      %swap3A_214 = tpu.vector_load %arg7[%swap3A_212, %swap3A_213] {strides = array<i32>} : memref<256x64xf32, #tpu.memory_space<vmem>>, vector<1x16xf32>,
      %swap3A_215 = vector.shape_cast %swap3A_214 : vector<1x16xf32> to vector<16xf32>
      %swap3A_216 = vector.shape_cast %add3A_211 : vector<16xf32> to vector<1x16xf32>
      tpu.vector_store %arg7[%swap3A_212, %swap3A_213], %swap3A_216 {strides = array<i32>} : memref<256x64xf32, #tpu.memory_space<vmem>>, vector<1x16xf32>,
      %get3A_217 = arith.index_cast %scan3A_188 : i32 to index
      %get3A_218 = arith.constant 32 : index
      %get3A_219 = tpu.vector_load %arg7[%get3A_217, %get3A_218] {strides = array<i32>} : memref<256x64xf32, #tpu.memory_space<vmem>>, vector<1x16xf32>,
      %get3A_220 = vector.shape_cast %get3A_219 : vector<1x16xf32> to vector<16xf32>
      %get3A_221 = arith.index_cast %scan3A_188 : i32 to index
      %get3A_222 = arith.constant 32 : index
      %get3A_223 = tpu.vector_load %arg8[%get3A_221, %get3A_222] {strides = array<i32>} : memref<256x64xf32, #tpu.memory_space<vmem>>, vector<1x16xf32>,
      %get3A_224 = vector.shape_cast %get3A_223 : vector<1x16xf32> to vector<16xf32>
      %add3A_225 = arith.addf %get3A_220, %get3A_224 : vector<16xf32>
      %swap3A_226 = arith.index_cast %scan3A_188 : i32 to index
      %swap3A_227 = arith.constant 32 : index
      %swap3A_228 = tpu.vector_load %arg7[%swap3A_226, %swap3A_227] {strides = array<i32>} : memref<256x64xf32, #tpu.memory_space<vmem>>, vector<1x16xf32>,
      %swap3A_229 = vector.shape_cast %swap3A_228 : vector<1x16xf32> to vector<16xf32>
      %swap3A_230 = vector.shape_cast %add3A_225 : vector<16xf32> to vector<1x16xf32>
      tpu.vector_store %arg7[%swap3A_226, %swap3A_227], %swap3A_230 {strides = array<i32>} : memref<256x64xf32, #tpu.memory_space<vmem>>, vector<1x16xf32>,
      %get3A_231 = arith.index_cast %scan3A_188 : i32 to index
      %get3A_232 = arith.constant 48 : index
      %get3A_233 = tpu.vector_load %arg7[%get3A_231, %get3A_232] {strides = array<i32>} : memref<256x64xf32, #tpu.memory_space<vmem>>, vector<1x16xf32>,
      %get3A_234 = vector.shape_cast %get3A_233 : vector<1x16xf32> to vector<16xf32>
      %get3A_235 = arith.index_cast %scan3A_188 : i32 to index
      %get3A_236 = arith.constant 48 : index
      %get3A_237 = tpu.vector_load %arg8[%get3A_235, %get3A_236] {strides = array<i32>} : memref<256x64xf32, #tpu.memory_space<vmem>>, vector<1x16xf32>,
      %get3A_238 = vector.shape_cast %get3A_237 : vector<1x16xf32> to vector<16xf32>
      %add3A_239 = arith.addf %get3A_234, %get3A_238 : vector<16xf32>
      %swap3A_240 = arith.index_cast %scan3A_188 : i32 to index
      %swap3A_241 = arith.constant 48 : index
      %swap3A_242 = tpu.vector_load %arg7[%swap3A_240, %swap3A_241] {strides = array<i32>} : memref<256x64xf32, #tpu.memory_space<vmem>>, vector<1x16xf32>,
      %swap3A_243 = vector.shape_cast %swap3A_242 : vector<1x16xf32> to vector<16xf32>
      %swap3A_244 = vector.shape_cast %add3A_239 : vector<16xf32> to vector<1x16xf32>
      tpu.vector_store %arg7[%swap3A_240, %swap3A_241], %swap3A_244 {strides = array<i32>} : memref<256x64xf32, #tpu.memory_space<vmem>>, vector<1x16xf32>,
      %scan3A_245 = arith.constant 3 : i32
      %scan3A_246 = arith.addi %scan3A_74, %scan3A_245 : i32
      %get3A_247 = arith.index_cast %scan3A_246 : i32 to index
      %get3A_248 = arith.constant 0 : index
      %get3A_249 = tpu.vector_load %arg7[%get3A_247, %get3A_248] {strides = array<i32>} : memref<256x64xf32, #tpu.memory_space<vmem>>, vector<1x16xf32>,
      %get3A_250 = vector.shape_cast %get3A_249 : vector<1x16xf32> to vector<16xf32>
      %get3A_251 = arith.index_cast %scan3A_246 : i32 to index
      %get3A_252 = arith.constant 0 : index
      %get3A_253 = tpu.vector_load %arg8[%get3A_251, %get3A_252] {strides = array<i32>} : memref<256x64xf32, #tpu.memory_space<vmem>>, vector<1x16xf32>,
      %get3A_254 = vector.shape_cast %get3A_253 : vector<1x16xf32> to vector<16xf32>
      %add3A_255 = arith.addf %get3A_250, %get3A_254 : vector<16xf32>
      %swap3A_256 = arith.index_cast %scan3A_246 : i32 to index
      %swap3A_257 = arith.constant 0 : index
      %swap3A_258 = tpu.vector_load %arg7[%swap3A_256, %swap3A_257] {strides = array<i32>} : memref<256x64xf32, #tpu.memory_space<vmem>>, vector<1x16xf32>,
      %swap3A_259 = vector.shape_cast %swap3A_258 : vector<1x16xf32> to vector<16xf32>
      %swap3A_260 = vector.shape_cast %add3A_255 : vector<16xf32> to vector<1x16xf32>
      tpu.vector_store %arg7[%swap3A_256, %swap3A_257], %swap3A_260 {strides = array<i32>} : memref<256x64xf32, #tpu.memory_space<vmem>>, vector<1x16xf32>,
      %get3A_261 = arith.index_cast %scan3A_246 : i32 to index
      %get3A_262 = arith.constant 16 : index
      %get3A_263 = tpu.vector_load %arg7[%get3A_261, %get3A_262] {strides = array<i32>} : memref<256x64xf32, #tpu.memory_space<vmem>>, vector<1x16xf32>,
      %get3A_264 = vector.shape_cast %get3A_263 : vector<1x16xf32> to vector<16xf32>
      %get3A_265 = arith.index_cast %scan3A_246 : i32 to index
      %get3A_266 = arith.constant 16 : index
      %get3A_267 = tpu.vector_load %arg8[%get3A_265, %get3A_266] {strides = array<i32>} : memref<256x64xf32, #tpu.memory_space<vmem>>, vector<1x16xf32>,
      %get3A_268 = vector.shape_cast %get3A_267 : vector<1x16xf32> to vector<16xf32>
      %add3A_269 = arith.addf %get3A_264, %get3A_268 : vector<16xf32>
      %swap3A_270 = arith.index_cast %scan3A_246 : i32 to index
      %swap3A_271 = arith.constant 16 : index
      %swap3A_272 = tpu.vector_load %arg7[%swap3A_270, %swap3A_271] {strides = array<i32>} : memref<256x64xf32, #tpu.memory_space<vmem>>, vector<1x16xf32>,
      %swap3A_273 = vector.shape_cast %swap3A_272 : vector<1x16xf32> to vector<16xf32>
      %swap3A_274 = vector.shape_cast %add3A_269 : vector<16xf32> to vector<1x16xf32>
      tpu.vector_store %arg7[%swap3A_270, %swap3A_271], %swap3A_274 {strides = array<i32>} : memref<256x64xf32, #tpu.memory_space<vmem>>, vector<1x16xf32>,
      %get3A_275 = arith.index_cast %scan3A_246 : i32 to index
      %get3A_276 = arith.constant 32 : index
      %get3A_277 = tpu.vector_load %arg7[%get3A_275, %get3A_276] {strides = array<i32>} : memref<256x64xf32, #tpu.memory_space<vmem>>, vector<1x16xf32>,
      %get3A_278 = vector.shape_cast %get3A_277 : vector<1x16xf32> to vector<16xf32>
      %get3A_279 = arith.index_cast %scan3A_246 : i32 to index
      %get3A_280 = arith.constant 32 : index
      %get3A_281 = tpu.vector_load %arg8[%get3A_279, %get3A_280] {strides = array<i32>} : memref<256x64xf32, #tpu.memory_space<vmem>>, vector<1x16xf32>,
      %get3A_282 = vector.shape_cast %get3A_281 : vector<1x16xf32> to vector<16xf32>
      %add3A_283 = arith.addf %get3A_278, %get3A_282 : vector<16xf32>
      %swap3A_284 = arith.index_cast %scan3A_246 : i32 to index
      %swap3A_285 = arith.constant 32 : index
      %swap3A_286 = tpu.vector_load %arg7[%swap3A_284, %swap3A_285] {strides = array<i32>} : memref<256x64xf32, #tpu.memory_space<vmem>>, vector<1x16xf32>,
      %swap3A_287 = vector.shape_cast %swap3A_286 : vector<1x16xf32> to vector<16xf32>
      %swap3A_288 = vector.shape_cast %add3A_283 : vector<16xf32> to vector<1x16xf32>
      tpu.vector_store %arg7[%swap3A_284, %swap3A_285], %swap3A_288 {strides = array<i32>} : memref<256x64xf32, #tpu.memory_space<vmem>>, vector<1x16xf32>,
      %get3A_289 = arith.index_cast %scan3A_246 : i32 to index
      %get3A_290 = arith.constant 48 : index
      %get3A_291 = tpu.vector_load %arg7[%get3A_289, %get3A_290] {strides = array<i32>} : memref<256x64xf32, #tpu.memory_space<vmem>>, vector<1x16xf32>,
      %get3A_292 = vector.shape_cast %get3A_291 : vector<1x16xf32> to vector<16xf32>
      %get3A_293 = arith.index_cast %scan3A_246 : i32 to index
      %get3A_294 = arith.constant 48 : index
      %get3A_295 = tpu.vector_load %arg8[%get3A_293, %get3A_294] {strides = array<i32>} : memref<256x64xf32, #tpu.memory_space<vmem>>, vector<1x16xf32>,
      %get3A_296 = vector.shape_cast %get3A_295 : vector<1x16xf32> to vector<16xf32>
      %add3A_297 = arith.addf %get3A_292, %get3A_296 : vector<16xf32>
      %swap3A_298 = arith.index_cast %scan3A_246 : i32 to index
      %swap3A_299 = arith.constant 48 : index
      %swap3A_300 = tpu.vector_load %arg7[%swap3A_298, %swap3A_299] {strides = array<i32>} : memref<256x64xf32, #tpu.memory_space<vmem>>, vector<1x16xf32>,
      %swap3A_301 = vector.shape_cast %swap3A_300 : vector<1x16xf32> to vector<16xf32>
      %swap3A_302 = vector.shape_cast %add3A_297 : vector<16xf32> to vector<1x16xf32>
      tpu.vector_store %arg7[%swap3A_298, %swap3A_299], %swap3A_302 {strides = array<i32>} : memref<256x64xf32, #tpu.memory_space<vmem>>, vector<1x16xf32>,
    }
    %scan3A_59 = arith.constant 128 : i32
    %dma_wait3A_60 = arith.constant 128 : i32
    %dma_wait3A_61 = arith.constant 0 : i32
    %dma_wait3A_62 = tpu.memref_slice %arg7[%dma_wait3A_60, %dma_wait3A_61] : memref<256x64xf32, #tpu.memory_space<vmem>> -> memref<128x64xf32, #tpu.memory_space<vmem>>
    %dma_wait3A_63 = arith.constant 128 : i32
    %dma_wait3A_64 = tpu.memref_slice %arg6[%dma_wait3A_63] : memref<256xi32, #tpu.memory_space<vmem>> -> memref<128xi32, #tpu.memory_space<vmem>>
    %dma_wait3A_65 = arith.constant 0 : i32
    %dma_wait3A_66 = arith.constant 0 : i32
    %dma_wait3A_67 = tpu.memref_slice %arg3[%dma_wait3A_65, %dma_wait3A_66] : memref<100000x64xf32, #tpu.memory_space<hbm>> -> memref<100000x64xf32, #tpu.memory_space<hbm>>
    tpu.wait_indirect_dma semaphore(%arg9 : memref<!tpu.dma_semaphore, #tpu.memory_space<semaphore_mem>>) src(%dma_wait3A_67 : memref<100000x64xf32, #tpu.memory_space<hbm>>) dst(%dma_wait3A_62 : memref<128x64xf32, #tpu.memory_space<vmem>>)
    %scan3A_68 = arith.constant 0 : i32
    %scan3A_69 = arith.constant 128 : i32
    %scan3A_70 = arith.constant 128 : i32
    %scan3A_71 = arith.addi %scan3A_69, %scan3A_70 : i32
    %scan3A_72 = arith.constant 4 : i32
    scf.for %scan3A_74 = %scan3A_69 to %scan3A_71 step %scan3A_72  : i32 {
      %get3A = arith.index_cast %scan3A_74 : i32 to index
      %get3A_75 = arith.constant 0 : index
      %get3A_76 = tpu.vector_load %arg7[%get3A, %get3A_75] {strides = array<i32>} : memref<256x64xf32, #tpu.memory_space<vmem>>, vector<1x16xf32>,
      %get3A_77 = vector.shape_cast %get3A_76 : vector<1x16xf32> to vector<16xf32>
      %get3A_78 = arith.index_cast %scan3A_74 : i32 to index
      %get3A_79 = arith.constant 0 : index
      %get3A_80 = tpu.vector_load %arg8[%get3A_78, %get3A_79] {strides = array<i32>} : memref<256x64xf32, #tpu.memory_space<vmem>>, vector<1x16xf32>,
      %get3A_81 = vector.shape_cast %get3A_80 : vector<1x16xf32> to vector<16xf32>
      %add3A_82 = arith.addf %get3A_77, %get3A_81 : vector<16xf32>
      %swap3A = arith.index_cast %scan3A_74 : i32 to index
      %swap3A_83 = arith.constant 0 : index
      %swap3A_84 = tpu.vector_load %arg7[%swap3A, %swap3A_83] {strides = array<i32>} : memref<256x64xf32, #tpu.memory_space<vmem>>, vector<1x16xf32>,
      %swap3A_85 = vector.shape_cast %swap3A_84 : vector<1x16xf32> to vector<16xf32>
      %swap3A_86 = vector.shape_cast %add3A_82 : vector<16xf32> to vector<1x16xf32>
      tpu.vector_store %arg7[%swap3A, %swap3A_83], %swap3A_86 {strides = array<i32>} : memref<256x64xf32, #tpu.memory_space<vmem>>, vector<1x16xf32>,
      %get3A_87 = arith.index_cast %scan3A_74 : i32 to index
      %get3A_88 = arith.constant 16 : index
      %get3A_89 = tpu.vector_load %arg7[%get3A_87, %get3A_88] {strides = array<i32>} : memref<256x64xf32, #tpu.memory_space<vmem>>, vector<1x16xf32>,
      %get3A_90 = vector.shape_cast %get3A_89 : vector<1x16xf32> to vector<16xf32>
      %get3A_91 = arith.index_cast %scan3A_74 : i32 to index
      %get3A_92 = arith.constant 16 : index
      %get3A_93 = tpu.vector_load %arg8[%get3A_91, %get3A_92] {strides = array<i32>} : memref<256x64xf32, #tpu.memory_space<vmem>>, vector<1x16xf32>,
      %get3A_94 = vector.shape_cast %get3A_93 : vector<1x16xf32> to vector<16xf32>
      %add3A_95 = arith.addf %get3A_90, %get3A_94 : vector<16xf32>
      %swap3A_96 = arith.index_cast %scan3A_74 : i32 to index
      %swap3A_97 = arith.constant 16 : index
      %swap3A_98 = tpu.vector_load %arg7[%swap3A_96, %swap3A_97] {strides = array<i32>} : memref<256x64xf32, #tpu.memory_space<vmem>>, vector<1x16xf32>,
      %swap3A_99 = vector.shape_cast %swap3A_98 : vector<1x16xf32> to vector<16xf32>
      %swap3A_100 = vector.shape_cast %add3A_95 : vector<16xf32> to vector<1x16xf32>
      tpu.vector_store %arg7[%swap3A_96, %swap3A_97], %swap3A_100 {strides = array<i32>} : memref<256x64xf32, #tpu.memory_space<vmem>>, vector<1x16xf32>,
      %get3A_101 = arith.index_cast %scan3A_74 : i32 to index
      %get3A_102 = arith.constant 32 : index
      %get3A_103 = tpu.vector_load %arg7[%get3A_101, %get3A_102] {strides = array<i32>} : memref<256x64xf32, #tpu.memory_space<vmem>>, vector<1x16xf32>,
      %get3A_104 = vector.shape_cast %get3A_103 : vector<1x16xf32> to vector<16xf32>
      %get3A_105 = arith.index_cast %scan3A_74 : i32 to index
      %get3A_106 = arith.constant 32 : index
      %get3A_107 = tpu.vector_load %arg8[%get3A_105, %get3A_106] {strides = array<i32>} : memref<256x64xf32, #tpu.memory_space<vmem>>, vector<1x16xf32>,
      %get3A_108 = vector.shape_cast %get3A_107 : vector<1x16xf32> to vector<16xf32>
      %add3A_109 = arith.addf %get3A_104, %get3A_108 : vector<16xf32>
      %swap3A_110 = arith.index_cast %scan3A_74 : i32 to index
      %swap3A_111 = arith.constant 32 : index
      %swap3A_112 = tpu.vector_load %arg7[%swap3A_110, %swap3A_111] {strides = array<i32>} : memref<256x64xf32, #tpu.memory_space<vmem>>, vector<1x16xf32>,
      %swap3A_113 = vector.shape_cast %swap3A_112 : vector<1x16xf32> to vector<16xf32>
      %swap3A_114 = vector.shape_cast %add3A_109 : vector<16xf32> to vector<1x16xf32>
      tpu.vector_store %arg7[%swap3A_110, %swap3A_111], %swap3A_114 {strides = array<i32>} : memref<256x64xf32, #tpu.memory_space<vmem>>, vector<1x16xf32>,
      %get3A_115 = arith.index_cast %scan3A_74 : i32 to index
      %get3A_116 = arith.constant 48 : index
      %get3A_117 = tpu.vector_load %arg7[%get3A_115, %get3A_116] {strides = array<i32>} : memref<256x64xf32, #tpu.memory_space<vmem>>, vector<1x16xf32>,
      %get3A_118 = vector.shape_cast %get3A_117 : vector<1x16xf32> to vector<16xf32>
      %get3A_119 = arith.index_cast %scan3A_74 : i32 to index
      %get3A_120 = arith.constant 48 : index
      %get3A_121 = tpu.vector_load %arg8[%get3A_119, %get3A_120] {strides = array<i32>} : memref<256x64xf32, #tpu.memory_space<vmem>>, vector<1x16xf32>,
      %get3A_122 = vector.shape_cast %get3A_121 : vector<1x16xf32> to vector<16xf32>
      %add3A_123 = arith.addf %get3A_118, %get3A_122 : vector<16xf32>
      %swap3A_124 = arith.index_cast %scan3A_74 : i32 to index
      %swap3A_125 = arith.constant 48 : index
      %swap3A_126 = tpu.vector_load %arg7[%swap3A_124, %swap3A_125] {strides = array<i32>} : memref<256x64xf32, #tpu.memory_space<vmem>>, vector<1x16xf32>,
      %swap3A_127 = vector.shape_cast %swap3A_126 : vector<1x16xf32> to vector<16xf32>
      %swap3A_128 = vector.shape_cast %add3A_123 : vector<16xf32> to vector<1x16xf32>
      tpu.vector_store %arg7[%swap3A_124, %swap3A_125], %swap3A_128 {strides = array<i32>} : memref<256x64xf32, #tpu.memory_space<vmem>>, vector<1x16xf32>,
      %scan3A_129 = arith.constant 1 : i32
      %scan3A_130 = arith.addi %scan3A_74, %scan3A_129 : i32
      %get3A_131 = arith.index_cast %scan3A_130 : i32 to index
      %get3A_132 = arith.constant 0 : index
      %get3A_133 = tpu.vector_load %arg7[%get3A_131, %get3A_132] {strides = array<i32>} : memref<256x64xf32, #tpu.memory_space<vmem>>, vector<1x16xf32>,
      %get3A_134 = vector.shape_cast %get3A_133 : vector<1x16xf32> to vector<16xf32>
      %get3A_135 = arith.index_cast %scan3A_130 : i32 to index
      %get3A_136 = arith.constant 0 : index
      %get3A_137 = tpu.vector_load %arg8[%get3A_135, %get3A_136] {strides = array<i32>} : memref<256x64xf32, #tpu.memory_space<vmem>>, vector<1x16xf32>,
      %get3A_138 = vector.shape_cast %get3A_137 : vector<1x16xf32> to vector<16xf32>
      %add3A_139 = arith.addf %get3A_134, %get3A_138 : vector<16xf32>
      %swap3A_140 = arith.index_cast %scan3A_130 : i32 to index
      %swap3A_141 = arith.constant 0 : index
      %swap3A_142 = tpu.vector_load %arg7[%swap3A_140, %swap3A_141] {strides = array<i32>} : memref<256x64xf32, #tpu.memory_space<vmem>>, vector<1x16xf32>,
      %swap3A_143 = vector.shape_cast %swap3A_142 : vector<1x16xf32> to vector<16xf32>
      %swap3A_144 = vector.shape_cast %add3A_139 : vector<16xf32> to vector<1x16xf32>
      tpu.vector_store %arg7[%swap3A_140, %swap3A_141], %swap3A_144 {strides = array<i32>} : memref<256x64xf32, #tpu.memory_space<vmem>>, vector<1x16xf32>,
      %get3A_145 = arith.index_cast %scan3A_130 : i32 to index
      %get3A_146 = arith.constant 16 : index
      %get3A_147 = tpu.vector_load %arg7[%get3A_145, %get3A_146] {strides = array<i32>} : memref<256x64xf32, #tpu.memory_space<vmem>>, vector<1x16xf32>,
      %get3A_148 = vector.shape_cast %get3A_147 : vector<1x16xf32> to vector<16xf32>
      %get3A_149 = arith.index_cast %scan3A_130 : i32 to index
      %get3A_150 = arith.constant 16 : index
      %get3A_151 = tpu.vector_load %arg8[%get3A_149, %get3A_150] {strides = array<i32>} : memref<256x64xf32, #tpu.memory_space<vmem>>, vector<1x16xf32>,
      %get3A_152 = vector.shape_cast %get3A_151 : vector<1x16xf32> to vector<16xf32>
      %add3A_153 = arith.addf %get3A_148, %get3A_152 : vector<16xf32>
      %swap3A_154 = arith.index_cast %scan3A_130 : i32 to index
      %swap3A_155 = arith.constant 16 : index
      %swap3A_156 = tpu.vector_load %arg7[%swap3A_154, %swap3A_155] {strides = array<i32>} : memref<256x64xf32, #tpu.memory_space<vmem>>, vector<1x16xf32>,
      %swap3A_157 = vector.shape_cast %swap3A_156 : vector<1x16xf32> to vector<16xf32>
      %swap3A_158 = vector.shape_cast %add3A_153 : vector<16xf32> to vector<1x16xf32>
      tpu.vector_store %arg7[%swap3A_154, %swap3A_155], %swap3A_158 {strides = array<i32>} : memref<256x64xf32, #tpu.memory_space<vmem>>, vector<1x16xf32>,
      %get3A_159 = arith.index_cast %scan3A_130 : i32 to index
      %get3A_160 = arith.constant 32 : index
      %get3A_161 = tpu.vector_load %arg7[%get3A_159, %get3A_160] {strides = array<i32>} : memref<256x64xf32, #tpu.memory_space<vmem>>, vector<1x16xf32>,
      %get3A_162 = vector.shape_cast %get3A_161 : vector<1x16xf32> to vector<16xf32>
      %get3A_163 = arith.index_cast %scan3A_130 : i32 to index
      %get3A_164 = arith.constant 32 : index
      %get3A_165 = tpu.vector_load %arg8[%get3A_163, %get3A_164] {strides = array<i32>} : memref<256x64xf32, #tpu.memory_space<vmem>>, vector<1x16xf32>,
      %get3A_166 = vector.shape_cast %get3A_165 : vector<1x16xf32> to vector<16xf32>
      %add3A_167 = arith.addf %get3A_162, %get3A_166 : vector<16xf32>
      %swap3A_168 = arith.index_cast %scan3A_130 : i32 to index
      %swap3A_169 = arith.constant 32 : index
      %swap3A_170 = tpu.vector_load %arg7[%swap3A_168, %swap3A_169] {strides = array<i32>} : memref<256x64xf32, #tpu.memory_space<vmem>>, vector<1x16xf32>,
      %swap3A_171 = vector.shape_cast %swap3A_170 : vector<1x16xf32> to vector<16xf32>
      %swap3A_172 = vector.shape_cast %add3A_167 : vector<16xf32> to vector<1x16xf32>
      tpu.vector_store %arg7[%swap3A_168, %swap3A_169], %swap3A_172 {strides = array<i32>} : memref<256x64xf32, #tpu.memory_space<vmem>>, vector<1x16xf32>,
      %get3A_173 = arith.index_cast %scan3A_130 : i32 to index
      %get3A_174 = arith.constant 48 : index
      %get3A_175 = tpu.vector_load %arg7[%get3A_173, %get3A_174] {strides = array<i32>} : memref<256x64xf32, #tpu.memory_space<vmem>>, vector<1x16xf32>,
      %get3A_176 = vector.shape_cast %get3A_175 : vector<1x16xf32> to vector<16xf32>
      %get3A_177 = arith.index_cast %scan3A_130 : i32 to index
      %get3A_178 = arith.constant 48 : index
      %get3A_179 = tpu.vector_load %arg8[%get3A_177, %get3A_178] {strides = array<i32>} : memref<256x64xf32, #tpu.memory_space<vmem>>, vector<1x16xf32>,
      %get3A_180 = vector.shape_cast %get3A_179 : vector<1x16xf32> to vector<16xf32>
      %add3A_181 = arith.addf %get3A_176, %get3A_180 : vector<16xf32>
      %swap3A_182 = arith.index_cast %scan3A_130 : i32 to index
      %swap3A_183 = arith.constant 48 : index
      %swap3A_184 = tpu.vector_load %arg7[%swap3A_182, %swap3A_183] {strides = array<i32>} : memref<256x64xf32, #tpu.memory_space<vmem>>, vector<1x16xf32>,
      %swap3A_185 = vector.shape_cast %swap3A_184 : vector<1x16xf32> to vector<16xf32>
      %swap3A_186 = vector.shape_cast %add3A_181 : vector<16xf32> to vector<1x16xf32>
      tpu.vector_store %arg7[%swap3A_182, %swap3A_183], %swap3A_186 {strides = array<i32>} : memref<256x64xf32, #tpu.memory_space<vmem>>, vector<1x16xf32>,
      %scan3A_187 = arith.constant 2 : i32
      %scan3A_188 = arith.addi %scan3A_74, %scan3A_187 : i32
      %get3A_189 = arith.index_cast %scan3A_188 : i32 to index
      %get3A_190 = arith.constant 0 : index
      %get3A_191 = tpu.vector_load %arg7[%get3A_189, %get3A_190] {strides = array<i32>} : memref<256x64xf32, #tpu.memory_space<vmem>>, vector<1x16xf32>,
      %get3A_192 = vector.shape_cast %get3A_191 : vector<1x16xf32> to vector<16xf32>
      %get3A_193 = arith.index_cast %scan3A_188 : i32 to index
      %get3A_194 = arith.constant 0 : index
      %get3A_195 = tpu.vector_load %arg8[%get3A_193, %get3A_194] {strides = array<i32>} : memref<256x64xf32, #tpu.memory_space<vmem>>, vector<1x16xf32>,
      %get3A_196 = vector.shape_cast %get3A_195 : vector<1x16xf32> to vector<16xf32>
      %add3A_197 = arith.addf %get3A_192, %get3A_196 : vector<16xf32>
      %swap3A_198 = arith.index_cast %scan3A_188 : i32 to index
      %swap3A_199 = arith.constant 0 : index
      %swap3A_200 = tpu.vector_load %arg7[%swap3A_198, %swap3A_199] {strides = array<i32>} : memref<256x64xf32, #tpu.memory_space<vmem>>, vector<1x16xf32>,
      %swap3A_201 = vector.shape_cast %swap3A_200 : vector<1x16xf32> to vector<16xf32>
      %swap3A_202 = vector.shape_cast %add3A_197 : vector<16xf32> to vector<1x16xf32>
      tpu.vector_store %arg7[%swap3A_198, %swap3A_199], %swap3A_202 {strides = array<i32>} : memref<256x64xf32, #tpu.memory_space<vmem>>, vector<1x16xf32>,
      %get3A_203 = arith.index_cast %scan3A_188 : i32 to index
      %get3A_204 = arith.constant 16 : index
      %get3A_205 = tpu.vector_load %arg7[%get3A_203, %get3A_204] {strides = array<i32>} : memref<256x64xf32, #tpu.memory_space<vmem>>, vector<1x16xf32>,
      %get3A_206 = vector.shape_cast %get3A_205 : vector<1x16xf32> to vector<16xf32>
      %get3A_207 = arith.index_cast %scan3A_188 : i32 to index
      %get3A_208 = arith.constant 16 : index
      %get3A_209 = tpu.vector_load %arg8[%get3A_207, %get3A_208] {strides = array<i32>} : memref<256x64xf32, #tpu.memory_space<vmem>>, vector<1x16xf32>,
      %get3A_210 = vector.shape_cast %get3A_209 : vector<1x16xf32> to vector<16xf32>
      %add3A_211 = arith.addf %get3A_206, %get3A_210 : vector<16xf32>
      %swap3A_212 = arith.index_cast %scan3A_188 : i32 to index
      %swap3A_213 = arith.constant 16 : index
      %swap3A_214 = tpu.vector_load %arg7[%swap3A_212, %swap3A_213] {strides = array<i32>} : memref<256x64xf32, #tpu.memory_space<vmem>>, vector<1x16xf32>,
      %swap3A_215 = vector.shape_cast %swap3A_214 : vector<1x16xf32> to vector<16xf32>
      %swap3A_216 = vector.shape_cast %add3A_211 : vector<16xf32> to vector<1x16xf32>
      tpu.vector_store %arg7[%swap3A_212, %swap3A_213], %swap3A_216 {strides = array<i32>} : memref<256x64xf32, #tpu.memory_space<vmem>>, vector<1x16xf32>,
      %get3A_217 = arith.index_cast %scan3A_188 : i32 to index
      %get3A_218 = arith.constant 32 : index
      %get3A_219 = tpu.vector_load %arg7[%get3A_217, %get3A_218] {strides = array<i32>} : memref<256x64xf32, #tpu.memory_space<vmem>>, vector<1x16xf32>,
      %get3A_220 = vector.shape_cast %get3A_219 : vector<1x16xf32> to vector<16xf32>
      %get3A_221 = arith.index_cast %scan3A_188 : i32 to index
      %get3A_222 = arith.constant 32 : index
      %get3A_223 = tpu.vector_load %arg8[%get3A_221, %get3A_222] {strides = array<i32>} : memref<256x64xf32, #tpu.memory_space<vmem>>, vector<1x16xf32>,
      %get3A_224 = vector.shape_cast %get3A_223 : vector<1x16xf32> to vector<16xf32>
      %add3A_225 = arith.addf %get3A_220, %get3A_224 : vector<16xf32>
      %swap3A_226 = arith.index_cast %scan3A_188 : i32 to index
      %swap3A_227 = arith.constant 32 : index
      %swap3A_228 = tpu.vector_load %arg7[%swap3A_226, %swap3A_227] {strides = array<i32>} : memref<256x64xf32, #tpu.memory_space<vmem>>, vector<1x16xf32>,
      %swap3A_229 = vector.shape_cast %swap3A_228 : vector<1x16xf32> to vector<16xf32>
      %swap3A_230 = vector.shape_cast %add3A_225 : vector<16xf32> to vector<1x16xf32>
      tpu.vector_store %arg7[%swap3A_226, %swap3A_227], %swap3A_230 {strides = array<i32>} : memref<256x64xf32, #tpu.memory_space<vmem>>, vector<1x16xf32>,
      %get3A_231 = arith.index_cast %scan3A_188 : i32 to index
      %get3A_232 = arith.constant 48 : index
      %get3A_233 = tpu.vector_load %arg7[%get3A_231, %get3A_232] {strides = array<i32>} : memref<256x64xf32, #tpu.memory_space<vmem>>, vector<1x16xf32>,
      %get3A_234 = vector.shape_cast %get3A_233 : vector<1x16xf32> to vector<16xf32>
      %get3A_235 = arith.index_cast %scan3A_188 : i32 to index
      %get3A_236 = arith.constant 48 : index
      %get3A_237 = tpu.vector_load %arg8[%get3A_235, %get3A_236] {strides = array<i32>} : memref<256x64xf32, #tpu.memory_space<vmem>>, vector<1x16xf32>,
      %get3A_238 = vector.shape_cast %get3A_237 : vector<1x16xf32> to vector<16xf32>
      %add3A_239 = arith.addf %get3A_234, %get3A_238 : vector<16xf32>
      %swap3A_240 = arith.index_cast %scan3A_188 : i32 to index
      %swap3A_241 = arith.constant 48 : index
      %swap3A_242 = tpu.vector_load %arg7[%swap3A_240, %swap3A_241] {strides = array<i32>} : memref<256x64xf32, #tpu.memory_space<vmem>>, vector<1x16xf32>,
      %swap3A_243 = vector.shape_cast %swap3A_242 : vector<1x16xf32> to vector<16xf32>
      %swap3A_244 = vector.shape_cast %add3A_239 : vector<16xf32> to vector<1x16xf32>
      tpu.vector_store %arg7[%swap3A_240, %swap3A_241], %swap3A_244 {strides = array<i32>} : memref<256x64xf32, #tpu.memory_space<vmem>>, vector<1x16xf32>,
      %scan3A_245 = arith.constant 3 : i32
      %scan3A_246 = arith.addi %scan3A_74, %scan3A_245 : i32
      %get3A_247 = arith.index_cast %scan3A_246 : i32 to index
      %get3A_248 = arith.constant 0 : index
      %get3A_249 = tpu.vector_load %arg7[%get3A_247, %get3A_248] {strides = array<i32>} : memref<256x64xf32, #tpu.memory_space<vmem>>, vector<1x16xf32>,
      %get3A_250 = vector.shape_cast %get3A_249 : vector<1x16xf32> to vector<16xf32>
      %get3A_251 = arith.index_cast %scan3A_246 : i32 to index
      %get3A_252 = arith.constant 0 : index
      %get3A_253 = tpu.vector_load %arg8[%get3A_251, %get3A_252] {strides = array<i32>} : memref<256x64xf32, #tpu.memory_space<vmem>>, vector<1x16xf32>,
      %get3A_254 = vector.shape_cast %get3A_253 : vector<1x16xf32> to vector<16xf32>
      %add3A_255 = arith.addf %get3A_250, %get3A_254 : vector<16xf32>
      %swap3A_256 = arith.index_cast %scan3A_246 : i32 to index
      %swap3A_257 = arith.constant 0 : index
      %swap3A_258 = tpu.vector_load %arg7[%swap3A_256, %swap3A_257] {strides = array<i32>} : memref<256x64xf32, #tpu.memory_space<vmem>>, vector<1x16xf32>,
      %swap3A_259 = vector.shape_cast %swap3A_258 : vector<1x16xf32> to vector<16xf32>
      %swap3A_260 = vector.shape_cast %add3A_255 : vector<16xf32> to vector<1x16xf32>
      tpu.vector_store %arg7[%swap3A_256, %swap3A_257], %swap3A_260 {strides = array<i32>} : memref<256x64xf32, #tpu.memory_space<vmem>>, vector<1x16xf32>,
      %get3A_261 = arith.index_cast %scan3A_246 : i32 to index
      %get3A_262 = arith.constant 16 : index
      %get3A_263 = tpu.vector_load %arg7[%get3A_261, %get3A_262] {strides = array<i32>} : memref<256x64xf32, #tpu.memory_space<vmem>>, vector<1x16xf32>,
      %get3A_264 = vector.shape_cast %get3A_263 : vector<1x16xf32> to vector<16xf32>
      %get3A_265 = arith.index_cast %scan3A_246 : i32 to index
      %get3A_266 = arith.constant 16 : index
      %get3A_267 = tpu.vector_load %arg8[%get3A_265, %get3A_266] {strides = array<i32>} : memref<256x64xf32, #tpu.memory_space<vmem>>, vector<1x16xf32>,
      %get3A_268 = vector.shape_cast %get3A_267 : vector<1x16xf32> to vector<16xf32>
      %add3A_269 = arith.addf %get3A_264, %get3A_268 : vector<16xf32>
      %swap3A_270 = arith.index_cast %scan3A_246 : i32 to index
      %swap3A_271 = arith.constant 16 : index
      %swap3A_272 = tpu.vector_load %arg7[%swap3A_270, %swap3A_271] {strides = array<i32>} : memref<256x64xf32, #tpu.memory_space<vmem>>, vector<1x16xf32>,
      %swap3A_273 = vector.shape_cast %swap3A_272 : vector<1x16xf32> to vector<16xf32>
      %swap3A_274 = vector.shape_cast %add3A_269 : vector<16xf32> to vector<1x16xf32>
      tpu.vector_store %arg7[%swap3A_270, %swap3A_271], %swap3A_274 {strides = array<i32>} : memref<256x64xf32, #tpu.memory_space<vmem>>, vector<1x16xf32>,
      %get3A_275 = arith.index_cast %scan3A_246 : i32 to index
      %get3A_276 = arith.constant 32 : index
      %get3A_277 = tpu.vector_load %arg7[%get3A_275, %get3A_276] {strides = array<i32>} : memref<256x64xf32, #tpu.memory_space<vmem>>, vector<1x16xf32>,
      %get3A_278 = vector.shape_cast %get3A_277 : vector<1x16xf32> to vector<16xf32>
      %get3A_279 = arith.index_cast %scan3A_246 : i32 to index
      %get3A_280 = arith.constant 32 : index
      %get3A_281 = tpu.vector_load %arg8[%get3A_279, %get3A_280] {strides = array<i32>} : memref<256x64xf32, #tpu.memory_space<vmem>>, vector<1x16xf32>,
      %get3A_282 = vector.shape_cast %get3A_281 : vector<1x16xf32> to vector<16xf32>
      %add3A_283 = arith.addf %get3A_278, %get3A_282 : vector<16xf32>
      %swap3A_284 = arith.index_cast %scan3A_246 : i32 to index
      %swap3A_285 = arith.constant 32 : index
      %swap3A_286 = tpu.vector_load %arg7[%swap3A_284, %swap3A_285] {strides = array<i32>} : memref<256x64xf32, #tpu.memory_space<vmem>>, vector<1x16xf32>,
      %swap3A_287 = vector.shape_cast %swap3A_286 : vector<1x16xf32> to vector<16xf32>
      %swap3A_288 = vector.shape_cast %add3A_283 : vector<16xf32> to vector<1x16xf32>
      tpu.vector_store %arg7[%swap3A_284, %swap3A_285], %swap3A_288 {strides = array<i32>} : memref<256x64xf32, #tpu.memory_space<vmem>>, vector<1x16xf32>,
      %get3A_289 = arith.index_cast %scan3A_246 : i32 to index
      %get3A_290 = arith.constant 48 : index
      %get3A_291 = tpu.vector_load %arg7[%get3A_289, %get3A_290] {strides = array<i32>} : memref<256x64xf32, #tpu.memory_space<vmem>>, vector<1x16xf32>,
      %get3A_292 = vector.shape_cast %get3A_291 : vector<1x16xf32> to vector<16xf32>
      %get3A_293 = arith.index_cast %scan3A_246 : i32 to index
      %get3A_294 = arith.constant 48 : index
      %get3A_295 = tpu.vector_load %arg8[%get3A_293, %get3A_294] {strides = array<i32>} : memref<256x64xf32, #tpu.memory_space<vmem>>, vector<1x16xf32>,
      %get3A_296 = vector.shape_cast %get3A_295 : vector<1x16xf32> to vector<16xf32>
      %add3A_297 = arith.addf %get3A_292, %get3A_296 : vector<16xf32>
      %swap3A_298 = arith.index_cast %scan3A_246 : i32 to index
      %swap3A_299 = arith.constant 48 : index
      %swap3A_300 = tpu.vector_load %arg7[%swap3A_298, %swap3A_299] {strides = array<i32>} : memref<256x64xf32, #tpu.memory_space<vmem>>, vector<1x16xf32>,
      %swap3A_301 = vector.shape_cast %swap3A_300 : vector<1x16xf32> to vector<16xf32>
      %swap3A_302 = vector.shape_cast %add3A_297 : vector<16xf32> to vector<1x16xf32>
      tpu.vector_store %arg7[%swap3A_298, %swap3A_299], %swap3A_302 {strides = array<i32>} : memref<256x64xf32, #tpu.memory_space<vmem>>, vector<1x16xf32>,
    }
    %scan3A_73 = arith.constant 128 : i32
    "tpu.region"() ({
      %run_scoped3A = tpu.sem_alloc : memref<!tpu.dma_semaphore, #tpu.memory_space<semaphore_mem>>
      %dma_start3A_74 = arith.constant 0 : i32
      %dma_start3A_75 = tpu.memref_slice %arg5[%select_n3A, %select_n3A_32, %dma_start3A_74] : memref<4x2048x64xf32, #tpu.memory_space<hbm>> -> memref<1x256x64xf32, #tpu.memory_space<hbm>>
      %dma_start3A_76 = tpu.memref_squeeze %dma_start3A_75 : memref<1x256x64xf32, #tpu.memory_space<hbm>> -> memref<256x64xf32, #tpu.memory_space<hbm>>
      %dma_start3A_77 = arith.constant 0 : i32
      %dma_start3A_78 = tpu.memref_slice %arg5[%select_n3A, %select_n3A_32, %dma_start3A_77] : memref<4x2048x64xf32, #tpu.memory_space<hbm>> -> memref<1x256x64xf32, #tpu.memory_space<hbm>>
      %dma_start3A_79 = tpu.memref_squeeze %dma_start3A_78 : memref<1x256x64xf32, #tpu.memory_space<hbm>> -> memref<256x64xf32, #tpu.memory_space<hbm>>
      tpu.enqueue_dma source(%arg7 : memref<256x64xf32, #tpu.memory_space<vmem>>) target(%dma_start3A_79 : memref<256x64xf32, #tpu.memory_space<hbm>>) target_semaphore(%run_scoped3A : memref<!tpu.dma_semaphore, #tpu.memory_space<semaphore_mem>>)
      %dma_wait3A_80 = arith.constant 0 : i32
      %dma_wait3A_81 = tpu.memref_slice %arg5[%select_n3A, %select_n3A_32, %dma_wait3A_80] : memref<4x2048x64xf32, #tpu.memory_space<hbm>> -> memref<1x256x64xf32, #tpu.memory_space<hbm>>
      %dma_wait3A_82 = tpu.memref_squeeze %dma_wait3A_81 : memref<1x256x64xf32, #tpu.memory_space<hbm>> -> memref<256x64xf32, #tpu.memory_space<hbm>>
      %dma_wait3A_83 = arith.constant 0 : i32
      %dma_wait3A_84 = tpu.memref_slice %arg5[%select_n3A, %select_n3A_32, %dma_wait3A_83] : memref<4x2048x64xf32, #tpu.memory_space<hbm>> -> memref<1x256x64xf32, #tpu.memory_space<hbm>>
      %dma_wait3A_85 = tpu.memref_squeeze %dma_wait3A_84 : memref<1x256x64xf32, #tpu.memory_space<hbm>> -> memref<256x64xf32, #tpu.memory_space<hbm>>
      tpu.wait_dma2 semaphore(%run_scoped3A : memref<!tpu.dma_semaphore, #tpu.memory_space<semaphore_mem>>) src(%arg7 : memref<256x64xf32, #tpu.memory_space<vmem>>) dst(%dma_wait3A_85 : memref<256x64xf32, #tpu.memory_space<hbm>>)
      tpu.yield
    }) : () -> ()
    return
  }
}

</mosaic_0001>

<sc_bundles>
// kernel: kernel.3.cloned.1.call-start
scs
__scs_entry_jumppad:
0x0: {  	(pc) =	sbr.rel $0x88, $3  }
0x1: {  	(tag) =	ssettag $0x0;
	lr =	simm.s32 $0x1  }
0x2: {  	[smem:$0x3F9E] =	sst lr;
	_ =	strace $0xD0000000  }
0x3: {  	_ = 	snop  }
0x4: {  	_ = 	snop  }
0x5: {  	_ = 	snop  }
0x6: {  	_ = 	snop  }
0x7: {  	_ = 	snop  }
__scs_overlays_trampoline_lowered:
0x8: {  	[smem:$0x3FAD] =	sst s0  }
0x9: {  	[smem:$0x3FAE] =	sst s1  }
0xa: {  	[smem:$0x3FAF] =	sst s2  }
0xb: {  	[smem:$0x3FB0] =	sst s3  }
0xc: {  	[smem:$0x3FB1] =	sst s4  }
0xd: {  	[smem:$0x3FB2] =	sst s5  }
0xe: {  	[smem:$0x3FB3] =	sst s6  }
0xf: {  	[smem:$0x3FB4] =	sst s7  }
0x10: {  	[smem:$0x3FB5] =	sst s8  }
0x11: {  	[smem:$0x3FB6] =	sst s9;
	s0 =	simm.s32 @!p0 $0x0  }
0x12: {  	s1 =	sld [smem:$0x3F9C];
	s0 =	simm.s32 @p0 $0x1  }
0x13: {  	[smem:$0x3FB7] =	sst s0;
	s0 =	simm.s32 @!p1 $0x0  }
0x14: {  	s2 =	sld [smem:$0x3F9B];
	s0 =	simm.s32 @p1 $0x1  }
0x15: {  	[smem:$0x3FB8] =	sst s0;
	s0 =	simm.s32 @!p2 $0x0  }
0x16: {  	s3 =	sld [smem:$0x3FDB];
	s0 =	simm.s32 @p2 $0x1  }
0x17: {  	s4 =	simm.s32 $0x1BF5;
	[smem:$0x3FBA] =	sst s0  }
0x18: {  	s0 =	sld [smem:$0x3F9D];
	_ =	swait.ge [sflag:s4], $0x0  }
0x19: {  	s7 =	sld [smem:$0x3F9E]  }
0x1a: {  	s8 =	sadd.s32 $0xFFFFE003, lr  }
0x1b: {  	s9 =	sadd.s32 $0xFFFFFEF7, lr;
	s5 =	simm.s32 $0xFFFFFFFF;
	p2 =	slt.u32 s8, $0xFFFFF086  }
0x1c: {  	p1 =	slt.u32 s9, $0xF7A;
	s5 =	simm.s32 @!p2 $0x0  }
0x1d: {  	s5 =	simm.s32 @p1 $0x1;
	p0 =	seq.s32 s7, s2  }
0x1e: {  	s7 =	smul.u32 @!p0 $0xF7A, s2;
	p2 =	seq.s32 @!p0 s5, $0x0  }
0x1f: {  	s9 =	smul.u32 $0xF7A, s1;
	s8 =	simm.s32 @!p0 $0x1BF5;
	p2 =	por !p2, p0  }
0x20: {  	[sflag:s8] =	ssyncset.s32 @!p0 $0xFFFFF086;
	s6 =	sadd.s32 @!p0 s3, s7;
	s7 =	simm.s32 @!p0 $0x108  }
0x21: {  	s3 =	sadd.s32 s3, s9;
	s6 =	sadd.s32 @!p0 $0x88, s6;
	s7 =	simm.s32 @p2 $0x1082  }
0x22: {  	[simem:s7], [sflag:s8] =	dma.local @!p0 [hbm:s6], $0xF7A  }
0x23: {  	s9 =	sor.u32 $0xD0000000, s2;
	s6 =	simm.s32 $0x108;
	_ =	swait.ge @!p0 [sflag:s8], $0x0  }
0x24: {  	s3 =	sadd.s32 $0x88, s3;
	s6 =	simm.s32 @!p1 $0x1082;
	[sflag:s4] =	ssyncset.s32 $0xFFFFF086  }
0x25: {  	[simem:s6], [sflag:s4] =	dma.local [hbm:s3], $0xF7A  }
0x26: {  	[smem:$0x3F9E] =	sst s1;
	(tag) =	ssettag s2;
	_ =	strace s9  }
0x27: {  	s1 =	sld [smem:$0x3FAE]  }
0x28: {  	s2 =	sld [smem:$0x3FAF]  }
0x29: {  	s4 =	sld [smem:$0x3FB1]  }
0x2a: {  	p0 =	seq.s32 s5, $0x0;
	s5 =	sld [smem:$0x3FB2]  }
0x2b: {  	s6 =	sld [smem:$0x3FB3]  }
0x2c: {  	s7 =	sld [smem:$0x3FB4]  }
0x2d: {  	s3 =	simm.s32 $0x108;
	s8 =	sld [smem:$0x3FB5]  }
0x2e: {  	s3 =	simm.s32 @!p0 $0x1082;
	s9 =	sld [smem:$0x3FB6]  }
0x2f: {  	lr =	sadd.s32 s0, s3;
	s0 =	sld [smem:$0x3FAD]  }
0x30: {  	s3 =	sld [smem:$0x3FB0]  }
0x31: {  	[smem:$0x3FB9] =	sst s10  }
0x32: {  	s10 =	sld [smem:$0x3FB7];
	_ =	sdelay $0x3  }
0x33: {  	p0 =	seq.s32 s10, $0x1;
	s10 =	sld [smem:$0x3FB9];
	_ =	sdelay $0x3  }
0x34: {  	[smem:$0x3FB9] =	sst s10  }
0x35: {  	s10 =	sld [smem:$0x3FB8];
	_ =	sdelay $0x3  }
0x36: {  	p1 =	seq.s32 s10, $0x1;
	s10 =	sld [smem:$0x3FB9];
	_ =	sdelay $0x3  }
0x37: {  	[smem:$0x3FB9] =	sst s10  }
0x38: {  	s10 =	sld [smem:$0x3FBA]  }
0x39: {  	_ = 	snop;
	(pc) =	sbr.ind lr, $3  }
0x3a: {  	_ = 	snop  }
0x3b: {  	_ = 	snop  }
0x3c: {  	p2 =	seq.s32 s10, $0x1;
	s10 =	sld [smem:$0x3FB9]  }
0x3d: {  	_ =	shalt  }
0x3e: {  	_ =	shalt  }
0x3f: {  	_ =	shalt  }
0x40: {  	_ =	shalt  }
0x41: {  	_ =	shalt  }
0x42: {  	_ =	shalt  }
0x43: {  	_ =	shalt  }
0x44: {  	_ =	shalt  }
0x45: {  	_ =	shalt  }
0x46: {  	_ =	shalt  }
0x47: {  	_ =	shalt  }
0x48: {  	_ =	shalt  }
0x49: {  	_ =	shalt  }
0x4a: {  	_ =	shalt  }
0x4b: {  	_ =	shalt  }
0x4c: {  	_ =	shalt  }
0x4d: {  	_ =	shalt  }
0x4e: {  	_ =	shalt  }
0x4f: {  	_ =	shalt  }
0x50: {  	_ =	shalt  }
0x51: {  	_ =	shalt  }
0x52: {  	_ =	shalt  }
0x53: {  	_ =	shalt  }
0x54: {  	_ =	shalt  }
0x55: {  	_ =	shalt  }
0x56: {  	_ =	shalt  }
0x57: {  	_ =	shalt  }
0x58: {  	_ =	shalt  }
0x59: {  	_ =	shalt  }
0x5a: {  	_ =	shalt  }
0x5b: {  	_ =	shalt  }
0x5c: {  	_ =	shalt  }
0x5d: {  	_ =	shalt  }
0x5e: {  	_ =	shalt  }
0x5f: {  	_ =	shalt  }
0x60: {  	_ =	shalt  }
0x61: {  	_ =	shalt  }
0x62: {  	_ =	shalt  }
0x63: {  	_ =	shalt  }
0x64: {  	_ =	shalt  }
0x65: {  	_ =	shalt  }
0x66: {  	_ =	shalt  }
0x67: {  	_ =	shalt  }
0x68: {  	_ =	shalt  }
0x69: {  	_ =	shalt  }
0x6a: {  	_ =	shalt  }
0x6b: {  	_ =	shalt  }
0x6c: {  	_ =	shalt  }
0x6d: {  	_ =	shalt  }
0x6e: {  	_ =	shalt  }
0x6f: {  	_ =	shalt  }
0x70: {  	_ =	shalt  }
0x71: {  	_ =	shalt  }
0x72: {  	_ =	shalt  }
0x73: {  	_ =	shalt  }
0x74: {  	_ =	shalt  }
0x75: {  	_ =	shalt  }
0x76: {  	_ =	shalt  }
0x77: {  	_ =	shalt  }
0x78: {  	_ =	shalt  }
0x79: {  	_ =	shalt  }
0x7a: {  	_ =	shalt  }
0x7b: {  	_ =	shalt  }
0x7c: {  	_ =	shalt  }
0x7d: {  	_ =	shalt  }
0x7e: {  	_ =	shalt  }
0x7f: {  	_ =	shalt  }
0x80: {  	_ =	shalt  }
0x81: {  	_ =	shalt  }
0x82: {  	_ =	shalt  }
0x83: {  	_ =	shalt  }
0x84: {  	_ =	shalt  }
0x85: {  	_ =	shalt  }
0x86: {  	_ =	shalt  }
0x87: {  	_ =	shalt  }
.Lfunc_end0:
.L_simem_size_0:
called_computation_lowered:
.L_overlay_start_0:
0x88: {  	s2 =	sld [smem:$0x3FD9]  }
0x89: {  	s3 =	sld [smem:$0x3FFE];
	_ =	sdelay $0x1  }
0x8a: {  	s1 =	srdreg.scid  }
0x8b: {  	s0 =	sand.u32 $0x1, s1  }
0x8c: {  	s17 =	sshll.u32 s0, $0xA;
	s2 =	sadd.s32 s3, s2  }
0x8d: {  	s2 =	sadd.s32 s2, s17  }
0x8e: {  	[smem:$0x3FC5] =	sst s2  }
0x8f: {  	_ = 	snop  }
0x90: {  	s2 =	sld [smem:$0x3FD0];
	(tm) =	ssettm $0x1  }
0x91: {  	s18 =	sld [smem:$0x3FFB];
	_ =	sdelay $0x3  }
0x92: {  	_ =	strace s18  }
0x93: {  	s3 =	sld [smem:$0x3FFC];
	_ =	sdelay $0x3  }
0x94: {  	_ =	strace s3  }
0x95: {  	s3 =	sld [smem:$0x3FFD];
	_ =	sdelay $0x3  }
0x96: {  	_ =	strace s3  }
0x97: {  	_ =	strace $0x8FFFFFFF  }
0x98: {  	s19 =	sld [smem:$0x3FDB];
	_ =	sdelay $0x1  }
0x99: {  	s4 =	simm.s32 $_scs_section_size  }
0x9a: {  	s5 =	simm.s32 $_size__tile_overlayer_lowered;
	s6 =	simm.s32 $_tile_overlayer_lowered  }
0x9b: {  	s22 =	simm.s32 $0x1BFF;
	s21 =	sshll.u32 s6, $0x1;
	s3 =	sadd.s32 s4, s19  }
0x9c: {  	s7 =	simm.s32 $0x0;
	s20 =	sshll.u32 s5, $0x1;
	s5 =	sadd.s32 s21, s3  }
0x9d: {  	[timem:s7], [sflag:s22] =	dma.local [hbm:s5], s20  }
0x9e: {  	_ =	swait.ge [sflag:s22], s20  }
0x9f: {  	s4 =	ssub.s32 $0x0, s20;
	[sflag:s22] =	ssyncset.done $0x0  }
0xa0: {  	[sflag:s22] =	ssyncadd.s32 s4;
	_ =	sdelay $0x1  }
0xa1: {  	s23 =	simm.s32 $0x1B8B  }
0xa2: {  	_ =	swait.ge [sflag:s23], $0x1  }
0xa3: {  	[sflag:s23] =	ssyncset.done $0x0  }
0xa4: {  	s25 =	simm.s32 $0x1B8E;
	s24 =	sld [smem:$0x3FFE];
	[sflag:s23] =	ssyncadd.s32 $0xFFFFFFFF  }
0xa5: {  	s26 =	simm.s32 $execute0_lowered;
	[smem:$0x3FD2] =	sst s25  }
0xa6: {  	s5 =	sshll.u32 s26, $0x1;
	_ =	strace $0x80000046;
	[dreg:$0x1] =	wrdreg $0xFFFFFFFF  }
0xa7: {  	s28 =	simm.s32 $_size_execute0_lowered;
	s3 =	sadd.s32 s3, s5;
	[dreg:$0x0] =	wrdreg $0x0  }
0xa8: {  	s5 =	sshll.u32 s28, $0x1;
	[dreg:$0x2] =	wrdreg s3  }
0xa9: {  	[dreg:$0x3] =	wrdreg s5  }
0xaa: {  	[dreg:$0x4] =	wrdreg $0xC0  }
0xab: {  	_ =	task [dreg:s7], $0x5FFFF  }
0xac: {  	[dreg:$0x1] =	wrdreg $0xFFFFFFFF  }
0xad: {  	[dreg:$0x0] =	wrdreg $0x60  }
0xae: {  	[dreg:$0x2] =	wrdreg s24  }
0xaf: {  	[dreg:$0x3] =	wrdreg s2  }
0xb0: {  	[dreg:$0x4] =	wrdreg $0x9  }
0xb1: {  	_ =	task.clear_ibuf [dreg:s7], $0x5FFFF;
	_ =	strace $0x90000046  }
0xb2: {  	s29 =	simm.s32 $0x9;
	_ =	strace $0x80000048  }
0xb3: {  	_ =	swait.ge [sflag:s29], $0x1  }
0xb4: {  	[sflag:s29] =	ssyncadd.s32 $0xFFFFFFFF  }
0xb5: {  	_ =	strace $0x90000048  }
0xb6: {  	_ =	sfence  }
0xb7: {  	s30 =	sld [smem:$0x0];
	_ =	sdelay $0x2  }
0xb8: {  	s31 =	sshll.u32 s1, $0xD;
	s1 =	sshrl.u32 s1, $0x2  }
0xb9: {  	s3 =	sand.u32 $0x4000, s31;
	s1 =	sadd.s32 s1, s30  }
0xba: {  	s0 =	sor.u32 s3, s0;
	s1 =	sshll.u32 s1, $0x11  }
0xbb: {  	s0 =	sor.u32 s1, s0  }
0xbc: {  	s0 =	sadd.s32 $0x8F2B, s0  }
0xbd: {  	[sflag:s0] =	ssyncadd.remote.s32 $0x1  }
0xbe: {  	_ =	sfence.sel $0xFFFF  }
0xbf: {  	[dreg:$0x0] =	wrdreg $0xFFFFFFFF;
	(pc) =	sbr.abs _section_cstart, $3  }
0xc0: {  	[dreg:$0x1] =	wrdreg $0xFFFFFFFF  }
0xc1: {  	_ =	task.clear_ibuf [dreg:s7], $0x2FFFF;
	_ =	strace $0x9FFFFFFF  }
0xc2: {  	(tm) =	ssettm $0x7FFFFFFF  }
0xc3: {  	_ =	shalt  }
tec
execute0_lowered:
.L_overlay_start_1:
0x0: {  	(tag) =	ssettag $0x1  }
0x1: {  	s4 =	rddreg [dreg:$0x0]  }
0x2: {  	s6 =	rddreg [dreg:$0x1];
	s2 =	srdreg.scid  }
0x3: {  	s0 =	rddreg [dreg:$0x2];
	s1 =	stileid.u32  }
0x4: {  	s10 =	simm.s32 $0x100;
	s11 =	simm.s32 $0x2100;
	s12 =	simm.s32 $0x4100  }
0x5: {  	s13 =	simm.s32 $0x1;
	s14 =	simm.s32 $0x0;
	s3 =	sand.u32 $0x1, s2  }
0x6: {  	s2 =	simm.s32 $0x0;
	s5 =	sshll.u32 s1, $0x9;
	s7 =	sshll.u32 s3, $0x8  }
0x7: {  	[smem:$0x7FF] =	sst s2;
	s9 =	ssub.s32 $0x2, s3;
	s3 =	sadd.s32 $0x187200, s4  }
0x8: {  	s5 =	sor.u32 s7, s5;
	_ =	strace $0x80000047;
	s31 =	sshrl.u32 s9, $0x1  }
0x9: {  	s7 =	sshrl.u32 s5, $0x3;
	s8 =	sshll.u32 s5, $0x3;
	s9 =	ssub.s32 s9, s31  }
0xa: {  	s29 =	sadd.s32 s7, s4;
	s30 =	sand.u32 $0x3800, s8;
	s6 =	sadd.s32 s6, s8  }
0xb: {  	s8 =	simm.s32 $0x2;
	s7 =	sadd.s32 s30, s4;
	s4 =	sadd.s32 $0x4800, s29  }
0xc: {  	s5 =	sadd.s32 $0x800, s7;
	s7 =	smax.u32 s9, $0x1;
	s9 =	simm.s32 $0x80  }
.LBB2_1:
0xd: {  	[tilespmem:s2], [sflag:$0x2] =	stream.linear.gather [hbm4b:s4+s2], $0x100, $0x38;
	[tilespmem:$0x8100] =	vst v63  }
0xe: {  	_ =	swait.ge [sflag:s8], $0x100  }
0xf: {  	[sflag:s8] =	ssyncset.done $0x0  }
0x10: {  	[sflag:s8] =	ssyncadd.s32 $0xFFFFFF00  }
0x11: {  	[tilespmem:s10], [sflag:$0x1] =	stream.indirect.gather [hbm4b:s3+s9], $0x40, s2, s9, $0xb8;
	[tilespmem:$0x8100] =	vst v63  }
0x12: {  	_ = 	snop  }
0x13: {  	[tilespmem:s11], [sflag:$0x1] =	stream.indirect.gather [hbm4b:s3+s9], $0x40, s9, s9, $0xb8;
	[tilespmem:$0x8100] =	vst v63  }
0x14: {  	_ = 	snop  }
0x15: {  	[tilespmem:s12], [sflag:$0x2] =	stream.linear.gather [hbm4b:s5+s2], $0x4000, $0x38;
	[tilespmem:$0x8100] =	vst v63  }
0x16: {  	_ =	swait.ge [sflag:s8], $0x4000  }
0x17: {  	[sflag:s8] =	ssyncset.done $0x0  }
0x18: {  	[sflag:s8] =	ssyncadd.s32 $0xFFFFC000  }
0x19: {  	_ =	swait.ge [sflag:s13], $0x2000  }
0x1a: {  	[sflag:s13] =	ssyncset.done $0x0  }
0x1b: {  	s15 =	simm.s32 $0x180;
	[sflag:s13] =	ssyncadd.s32 $0xFFFFE000  }
0x1c: {  	s16 =	simm.s32 $0x4180;
	v0 =	vld [tilespmem:s15+$0xFFFFFF80]  }
0x1d: {  	v1 =	vld [tilespmem:s16+$0xFFFFFF80];
	_ =	sdelay $0x4  }
0x1e: {  	v0 =	vadd.f32 v1, v0;
	_ =	sdelay $0x1  }
0x1f: {  	[tilespmem:s15+$0xFFFFFF80] =	vst v0;
	v0 =	vld [tilespmem:s15+$0xFFFFFF90]  }
0x20: {  	v1 =	vld [tilespmem:s16+$0xFFFFFF90];
	_ =	sdelay $0x4  }
0x21: {  	v0 =	vadd.f32 v1, v0;
	_ =	sdelay $0x1  }
0x22: {  	[tilespmem:s15+$0xFFFFFF90] =	vst v0;
	v0 =	vld [tilespmem:s15+$0xFFFFFFA0]  }
0x23: {  	v1 =	vld [tilespmem:s16+$0xFFFFFFA0];
	_ =	sdelay $0x4  }
0x24: {  	v0 =	vadd.f32 v1, v0;
	_ =	sdelay $0x1  }
0x25: {  	[tilespmem:s15+$0xFFFFFFA0] =	vst v0;
	v0 =	vld [tilespmem:s15+$0xFFFFFFB0]  }
0x26: {  	v1 =	vld [tilespmem:s16+$0xFFFFFFB0];
	_ =	sdelay $0x4  }
0x27: {  	v0 =	vadd.f32 v1, v0;
	_ =	sdelay $0x1  }
0x28: {  	[tilespmem:s15+$0xFFFFFFB0] =	vst v0;
	v0 =	vld [tilespmem:s15+$0xFFFFFFC0]  }
0x29: {  	v1 =	vld [tilespmem:s16+$0xFFFFFFC0];
	_ =	sdelay $0x4  }
0x2a: {  	v0 =	vadd.f32 v1, v0;
	_ =	sdelay $0x1  }
0x2b: {  	[tilespmem:s15+$0xFFFFFFC0] =	vst v0;
	v0 =	vld [tilespmem:s15+$0xFFFFFFD0]  }
0x2c: {  	v1 =	vld [tilespmem:s16+$0xFFFFFFD0];
	_ =	sdelay $0x4  }
0x2d: {  	v0 =	vadd.f32 v1, v0;
	_ =	sdelay $0x1  }
0x2e: {  	[tilespmem:s15+$0xFFFFFFD0] =	vst v0;
	v0 =	vld [tilespmem:s15+$0xFFFFFFE0]  }
0x2f: {  	v1 =	vld [tilespmem:s16+$0xFFFFFFE0];
	_ =	sdelay $0x4  }
0x30: {  	v0 =	vadd.f32 v1, v0;
	_ =	sdelay $0x1  }
0x31: {  	[tilespmem:s15+$0xFFFFFFE0] =	vst v0;
	v0 =	vld [tilespmem:s15+$0xFFFFFFF0]  }
0x32: {  	v1 =	vld [tilespmem:s16+$0xFFFFFFF0];
	_ =	sdelay $0x4  }
0x33: {  	v0 =	vadd.f32 v1, v0;
	_ =	sdelay $0x1  }
0x34: {  	[tilespmem:s15+$0xFFFFFFF0] =	vst v0;
	v0 =	vld [tilespmem:s15+$0x0]  }
0x35: {  	v1 =	vld [tilespmem:s16+$0x0];
	_ =	sdelay $0x4  }
0x36: {  	v0 =	vadd.f32 v1, v0;
	_ =	sdelay $0x1  }
0x37: {  	[tilespmem:s15+$0x0] =	vst v0;
	v0 =	vld [tilespmem:s15+$0x10]  }
0x38: {  	v1 =	vld [tilespmem:s16+$0x10];
	_ =	sdelay $0x4  }
0x39: {  	v0 =	vadd.f32 v1, v0;
	_ =	sdelay $0x1  }
0x3a: {  	[tilespmem:s15+$0x10] =	vst v0;
	v0 =	vld [tilespmem:s15+$0x20]  }
0x3b: {  	v1 =	vld [tilespmem:s16+$0x20];
	_ =	sdelay $0x4  }
0x3c: {  	v0 =	vadd.f32 v1, v0;
	_ =	sdelay $0x1  }
0x3d: {  	[tilespmem:s15+$0x20] =	vst v0;
	v0 =	vld [tilespmem:s15+$0x30]  }
0x3e: {  	v1 =	vld [tilespmem:s16+$0x30];
	_ =	sdelay $0x4  }
0x3f: {  	v0 =	vadd.f32 v1, v0;
	_ =	sdelay $0x1  }
0x40: {  	[tilespmem:s15+$0x30] =	vst v0;
	v0 =	vld [tilespmem:s15+$0x40]  }
0x41: {  	v1 =	vld [tilespmem:s16+$0x40];
	_ =	sdelay $0x4  }
0x42: {  	v0 =	vadd.f32 v1, v0;
	_ =	sdelay $0x1  }
0x43: {  	[tilespmem:s15+$0x40] =	vst v0;
	v0 =	vld [tilespmem:s15+$0x50]  }
0x44: {  	v1 =	vld [tilespmem:s16+$0x50];
	_ =	sdelay $0x4  }
0x45: {  	v0 =	vadd.f32 v1, v0;
	_ =	sdelay $0x1  }
0x46: {  	[tilespmem:s15+$0x50] =	vst v0;
	v0 =	vld [tilespmem:s15+$0x60]  }
0x47: {  	v1 =	vld [tilespmem:s16+$0x60];
	_ =	sdelay $0x4  }
0x48: {  	v0 =	vadd.f32 v1, v0;
	_ =	sdelay $0x1  }
0x49: {  	[tilespmem:s15+$0x60] =	vst v0;
	v0 =	vld [tilespmem:s15+$0x70]  }
0x4a: {  	v1 =	vld [tilespmem:s16+$0x70];
	_ =	sdelay $0x4  }
0x4b: {  	v0 =	vadd.f32 v1, v0  }
0x4c: {  	s17 =	simm.s32 $0x0;
	s18 =	simm.s32 $0x280  }
.LBB2_2:
0x4d: {  	v1 =	vld [tilespmem:s18+$0xFFFFFF80];
	[tilespmem:s15+$0x70] =	vst v0;
	s16 =	sadd.s32 $0x100, s16;
	s15 =	smov.u32 s18  }
0x4e: {  	s17 =	sadd.s32 $0x4, s17;
	v0 =	vld [tilespmem:s16+$0xFFFFFF80]  }
0x4f: {  	p0 =	slt.u32 s17, $0x7C;
	_ =	sdelay $0x3  }
0x50: {  	v0 =	vadd.f32 v0, v1;
	_ =	sdelay $0x1  }
0x51: {  	[tilespmem:s18+$0xFFFFFF80] =	vst v0;
	v0 =	vld [tilespmem:s18+$0xFFFFFF90]  }
0x52: {  	v1 =	vld [tilespmem:s16+$0xFFFFFF90];
	_ =	sdelay $0x4  }
0x53: {  	v0 =	vadd.f32 v1, v0;
	_ =	sdelay $0x1  }
0x54: {  	[tilespmem:s18+$0xFFFFFF90] =	vst v0;
	v0 =	vld [tilespmem:s18+$0xFFFFFFA0]  }
0x55: {  	v1 =	vld [tilespmem:s16+$0xFFFFFFA0];
	_ =	sdelay $0x4  }
0x56: {  	v0 =	vadd.f32 v1, v0;
	_ =	sdelay $0x1  }
0x57: {  	[tilespmem:s18+$0xFFFFFFA0] =	vst v0;
	v0 =	vld [tilespmem:s18+$0xFFFFFFB0]  }
0x58: {  	v1 =	vld [tilespmem:s16+$0xFFFFFFB0];
	_ =	sdelay $0x4  }
0x59: {  	v0 =	vadd.f32 v1, v0;
	_ =	sdelay $0x1  }
0x5a: {  	[tilespmem:s18+$0xFFFFFFB0] =	vst v0;
	v0 =	vld [tilespmem:s18+$0xFFFFFFC0]  }
0x5b: {  	v1 =	vld [tilespmem:s16+$0xFFFFFFC0];
	_ =	sdelay $0x4  }
0x5c: {  	v0 =	vadd.f32 v1, v0;
	_ =	sdelay $0x1  }
0x5d: {  	[tilespmem:s18+$0xFFFFFFC0] =	vst v0;
	v0 =	vld [tilespmem:s18+$0xFFFFFFD0]  }
0x5e: {  	v1 =	vld [tilespmem:s16+$0xFFFFFFD0];
	_ =	sdelay $0x4  }
0x5f: {  	v0 =	vadd.f32 v1, v0;
	_ =	sdelay $0x1  }
0x60: {  	[tilespmem:s18+$0xFFFFFFD0] =	vst v0;
	v0 =	vld [tilespmem:s18+$0xFFFFFFE0]  }
0x61: {  	v1 =	vld [tilespmem:s16+$0xFFFFFFE0];
	_ =	sdelay $0x4  }
0x62: {  	v0 =	vadd.f32 v1, v0;
	_ =	sdelay $0x1  }
0x63: {  	[tilespmem:s18+$0xFFFFFFE0] =	vst v0;
	v0 =	vld [tilespmem:s18+$0xFFFFFFF0]  }
0x64: {  	v1 =	vld [tilespmem:s16+$0xFFFFFFF0];
	_ =	sdelay $0x4  }
0x65: {  	v0 =	vadd.f32 v1, v0;
	_ =	sdelay $0x1  }
0x66: {  	[tilespmem:s18+$0xFFFFFFF0] =	vst v0;
	v0 =	vld [tilespmem:s18+$0x0]  }
0x67: {  	v1 =	vld [tilespmem:s16+$0x0];
	_ =	sdelay $0x4  }
0x68: {  	v0 =	vadd.f32 v1, v0;
	_ =	sdelay $0x1  }
0x69: {  	[tilespmem:s18+$0x0] =	vst v0;
	v0 =	vld [tilespmem:s18+$0x10]  }
0x6a: {  	v1 =	vld [tilespmem:s16+$0x10];
	_ =	sdelay $0x4  }
0x6b: {  	v0 =	vadd.f32 v1, v0;
	_ =	sdelay $0x1  }
0x6c: {  	[tilespmem:s18+$0x10] =	vst v0;
	v0 =	vld [tilespmem:s18+$0x20]  }
0x6d: {  	v1 =	vld [tilespmem:s16+$0x20];
	_ =	sdelay $0x4  }
0x6e: {  	v0 =	vadd.f32 v1, v0;
	_ =	sdelay $0x1  }
0x6f: {  	[tilespmem:s18+$0x20] =	vst v0;
	v0 =	vld [tilespmem:s18+$0x30]  }
0x70: {  	v1 =	vld [tilespmem:s16+$0x30];
	_ =	sdelay $0x4  }
0x71: {  	v0 =	vadd.f32 v1, v0;
	_ =	sdelay $0x1  }
0x72: {  	[tilespmem:s18+$0x30] =	vst v0;
	v0 =	vld [tilespmem:s18+$0x40]  }
0x73: {  	v1 =	vld [tilespmem:s16+$0x40];
	_ =	sdelay $0x4  }
0x74: {  	v0 =	vadd.f32 v1, v0;
	_ =	sdelay $0x1  }
0x75: {  	[tilespmem:s18+$0x40] =	vst v0;
	v0 =	vld [tilespmem:s18+$0x50]  }
0x76: {  	v1 =	vld [tilespmem:s16+$0x50];
	_ =	sdelay $0x4  }
0x77: {  	v0 =	vadd.f32 v1, v0;
	_ =	sdelay $0x1  }
0x78: {  	[tilespmem:s18+$0x50] =	vst v0;
	v0 =	vld [tilespmem:s18+$0x60]  }
0x79: {  	v1 =	vld [tilespmem:s16+$0x60];
	_ =	sdelay $0x4  }
0x7a: {  	v0 =	vadd.f32 v1, v0;
	_ =	sdelay $0x1  }
0x7b: {  	[tilespmem:s18+$0x60] =	vst v0;
	v0 =	vld [tilespmem:s18+$0x70]  }
0x7c: {  	v1 =	vld [tilespmem:s16+$0x70];
	_ =	sdelay $0x1  }
.Ltmp0:
0x7d: {  	(pc) =	sbr.rel @p0 .LBB2_2-.Ltmp0, $3  }
0x7e: {  	_ =	sdelay $0x1  }
0x7f: {  	v0 =	vadd.f32 v1, v0  }
0x80: {  	s18 =	sadd.s32 $0x100, s18  }
0x81: {  	[tilespmem:s15+$0x70] =	vst v0  }
0x82: {  	_ =	swait.ge [sflag:s13], $0x2000  }
0x83: {  	[sflag:s13] =	ssyncset.done $0x0  }
0x84: {  	s15 =	simm.s32 $0x21F0;
	[sflag:s13] =	ssyncadd.s32 $0xFFFFE000  }
0x85: {  	s16 =	simm.s32 $0x61F0;
	v0 =	vld [tilespmem:s15+$0xFFFFFF10]  }
0x86: {  	v1 =	vld [tilespmem:s16+$0xFFFFFF10];
	_ =	sdelay $0x4  }
0x87: {  	v0 =	vadd.f32 v1, v0;
	_ =	sdelay $0x1  }
0x88: {  	[tilespmem:s15+$0xFFFFFF10] =	vst v0;
	v0 =	vld [tilespmem:s15+$0xFFFFFF20]  }
0x89: {  	v1 =	vld [tilespmem:s16+$0xFFFFFF20];
	_ =	sdelay $0x4  }
0x8a: {  	v0 =	vadd.f32 v1, v0;
	_ =	sdelay $0x1  }
0x8b: {  	[tilespmem:s15+$0xFFFFFF20] =	vst v0;
	v0 =	vld [tilespmem:s15+$0xFFFFFF30]  }
0x8c: {  	v1 =	vld [tilespmem:s16+$0xFFFFFF30];
	_ =	sdelay $0x4  }
0x8d: {  	v0 =	vadd.f32 v1, v0;
	_ =	sdelay $0x1  }
0x8e: {  	[tilespmem:s15+$0xFFFFFF30] =	vst v0;
	v0 =	vld [tilespmem:s15+$0xFFFFFF40]  }
0x8f: {  	v1 =	vld [tilespmem:s16+$0xFFFFFF40];
	_ =	sdelay $0x4  }
0x90: {  	v0 =	vadd.f32 v1, v0;
	_ =	sdelay $0x1  }
0x91: {  	[tilespmem:s15+$0xFFFFFF40] =	vst v0;
	v0 =	vld [tilespmem:s15+$0xFFFFFF50]  }
0x92: {  	v1 =	vld [tilespmem:s16+$0xFFFFFF50];
	_ =	sdelay $0x4  }
0x93: {  	v0 =	vadd.f32 v1, v0;
	_ =	sdelay $0x1  }
0x94: {  	[tilespmem:s15+$0xFFFFFF50] =	vst v0;
	v0 =	vld [tilespmem:s15+$0xFFFFFF60]  }
0x95: {  	v1 =	vld [tilespmem:s16+$0xFFFFFF60];
	_ =	sdelay $0x4  }
0x96: {  	v0 =	vadd.f32 v1, v0;
	_ =	sdelay $0x1  }
0x97: {  	[tilespmem:s15+$0xFFFFFF60] =	vst v0;
	v0 =	vld [tilespmem:s15+$0xFFFFFF70]  }
0x98: {  	v1 =	vld [tilespmem:s16+$0xFFFFFF70];
	_ =	sdelay $0x4  }
0x99: {  	v0 =	vadd.f32 v1, v0;
	_ =	sdelay $0x1  }
0x9a: {  	[tilespmem:s15+$0xFFFFFF70] =	vst v0;
	v0 =	vld [tilespmem:s15+$0xFFFFFF80]  }
0x9b: {  	v1 =	vld [tilespmem:s16+$0xFFFFFF80];
	_ =	sdelay $0x4  }
0x9c: {  	v0 =	vadd.f32 v1, v0;
	_ =	sdelay $0x1  }
0x9d: {  	[tilespmem:s15+$0xFFFFFF80] =	vst v0;
	v0 =	vld [tilespmem:s15+$0xFFFFFF90]  }
0x9e: {  	v1 =	vld [tilespmem:s16+$0xFFFFFF90];
	_ =	sdelay $0x4  }
0x9f: {  	v0 =	vadd.f32 v1, v0;
	_ =	sdelay $0x1  }
0xa0: {  	[tilespmem:s15+$0xFFFFFF90] =	vst v0;
	v0 =	vld [tilespmem:s15+$0xFFFFFFA0]  }
0xa1: {  	v1 =	vld [tilespmem:s16+$0xFFFFFFA0];
	_ =	sdelay $0x4  }
0xa2: {  	v0 =	vadd.f32 v1, v0;
	_ =	sdelay $0x1  }
0xa3: {  	[tilespmem:s15+$0xFFFFFFA0] =	vst v0;
	v0 =	vld [tilespmem:s15+$0xFFFFFFB0]  }
0xa4: {  	v1 =	vld [tilespmem:s16+$0xFFFFFFB0];
	_ =	sdelay $0x4  }
0xa5: {  	v0 =	vadd.f32 v1, v0;
	_ =	sdelay $0x1  }
0xa6: {  	[tilespmem:s15+$0xFFFFFFB0] =	vst v0;
	v0 =	vld [tilespmem:s15+$0xFFFFFFC0]  }
0xa7: {  	v1 =	vld [tilespmem:s16+$0xFFFFFFC0];
	_ =	sdelay $0x4  }
0xa8: {  	v0 =	vadd.f32 v1, v0;
	_ =	sdelay $0x1  }
0xa9: {  	[tilespmem:s15+$0xFFFFFFC0] =	vst v0;
	v0 =	vld [tilespmem:s15+$0xFFFFFFD0]  }
0xaa: {  	v1 =	vld [tilespmem:s16+$0xFFFFFFD0];
	_ =	sdelay $0x4  }
0xab: {  	v0 =	vadd.f32 v1, v0;
	_ =	sdelay $0x1  }
0xac: {  	[tilespmem:s15+$0xFFFFFFD0] =	vst v0;
	v0 =	vld [tilespmem:s15+$0xFFFFFFE0]  }
0xad: {  	v1 =	vld [tilespmem:s16+$0xFFFFFFE0];
	_ =	sdelay $0x4  }
0xae: {  	v0 =	vadd.f32 v1, v0;
	_ =	sdelay $0x1  }
0xaf: {  	[tilespmem:s15+$0xFFFFFFE0] =	vst v0;
	v0 =	vld [tilespmem:s15+$0xFFFFFFF0]  }
0xb0: {  	v1 =	vld [tilespmem:s16+$0xFFFFFFF0];
	_ =	sdelay $0x4  }
0xb1: {  	v0 =	vadd.f32 v1, v0;
	_ =	sdelay $0x1  }
0xb2: {  	[tilespmem:s15+$0xFFFFFFF0] =	vst v0;
	v0 =	vld [tilespmem:s15+$0x0]  }
0xb3: {  	v1 =	vld [tilespmem:s16+$0x0];
	_ =	sdelay $0x4  }
0xb4: {  	v0 =	vadd.f32 v1, v0  }
0xb5: {  	s17 =	simm.s32 $0x80;
	s18 =	simm.s32 $0x22F0  }
.LBB2_4:
0xb6: {  	v1 =	vld [tilespmem:s18+$0xFFFFFF10];
	[tilespmem:s15+$0x0] =	vst v0;
	s16 =	sadd.s32 $0x100, s16;
	s15 =	smov.u32 s18  }
0xb7: {  	s17 =	sadd.s32 $0x4, s17;
	v0 =	vld [tilespmem:s16+$0xFFFFFF10]  }
0xb8: {  	p0 =	slt.u32 s17, $0xFC;
	_ =	sdelay $0x3  }
0xb9: {  	v0 =	vadd.f32 v0, v1;
	_ =	sdelay $0x1  }
0xba: {  	[tilespmem:s18+$0xFFFFFF10] =	vst v0;
	v0 =	vld [tilespmem:s18+$0xFFFFFF20]  }
0xbb: {  	v1 =	vld [tilespmem:s16+$0xFFFFFF20];
	_ =	sdelay $0x4  }
0xbc: {  	v0 =	vadd.f32 v1, v0;
	_ =	sdelay $0x1  }
0xbd: {  	[tilespmem:s18+$0xFFFFFF20] =	vst v0;
	v0 =	vld [tilespmem:s18+$0xFFFFFF30]  }
0xbe: {  	v1 =	vld [tilespmem:s16+$0xFFFFFF30];
	_ =	sdelay $0x4  }
0xbf: {  	v0 =	vadd.f32 v1, v0;
	_ =	sdelay $0x1  }
0xc0: {  	[tilespmem:s18+$0xFFFFFF30] =	vst v0;
	v0 =	vld [tilespmem:s18+$0xFFFFFF40]  }
0xc1: {  	v1 =	vld [tilespmem:s16+$0xFFFFFF40];
	_ =	sdelay $0x4  }
0xc2: {  	v0 =	vadd.f32 v1, v0;
	_ =	sdelay $0x1  }
0xc3: {  	[tilespmem:s18+$0xFFFFFF40] =	vst v0;
	v0 =	vld [tilespmem:s18+$0xFFFFFF50]  }
0xc4: {  	v1 =	vld [tilespmem:s16+$0xFFFFFF50];
	_ =	sdelay $0x4  }
0xc5: {  	v0 =	vadd.f32 v1, v0;
	_ =	sdelay $0x1  }
0xc6: {  	[tilespmem:s18+$0xFFFFFF50] =	vst v0;
	v0 =	vld [tilespmem:s18+$0xFFFFFF60]  }
0xc7: {  	v1 =	vld [tilespmem:s16+$0xFFFFFF60];
	_ =	sdelay $0x4  }
0xc8: {  	v0 =	vadd.f32 v1, v0;
	_ =	sdelay $0x1  }
0xc9: {  	[tilespmem:s18+$0xFFFFFF60] =	vst v0;
	v0 =	vld [tilespmem:s18+$0xFFFFFF70]  }
0xca: {  	v1 =	vld [tilespmem:s16+$0xFFFFFF70];
	_ =	sdelay $0x4  }
0xcb: {  	v0 =	vadd.f32 v1, v0;
	_ =	sdelay $0x1  }
0xcc: {  	[tilespmem:s18+$0xFFFFFF70] =	vst v0;
	v0 =	vld [tilespmem:s18+$0xFFFFFF80]  }
0xcd: {  	v1 =	vld [tilespmem:s16+$0xFFFFFF80];
	_ =	sdelay $0x4  }
0xce: {  	v0 =	vadd.f32 v1, v0;
	_ =	sdelay $0x1  }
0xcf: {  	[tilespmem:s18+$0xFFFFFF80] =	vst v0;
	v0 =	vld [tilespmem:s18+$0xFFFFFF90]  }
0xd0: {  	v1 =	vld [tilespmem:s16+$0xFFFFFF90];
	_ =	sdelay $0x4  }
0xd1: {  	v0 =	vadd.f32 v1, v0;
	_ =	sdelay $0x1  }
0xd2: {  	[tilespmem:s18+$0xFFFFFF90] =	vst v0;
	v0 =	vld [tilespmem:s18+$0xFFFFFFA0]  }
0xd3: {  	v1 =	vld [tilespmem:s16+$0xFFFFFFA0];
	_ =	sdelay $0x4  }
0xd4: {  	v0 =	vadd.f32 v1, v0;
	_ =	sdelay $0x1  }
0xd5: {  	[tilespmem:s18+$0xFFFFFFA0] =	vst v0;
	v0 =	vld [tilespmem:s18+$0xFFFFFFB0]  }
0xd6: {  	v1 =	vld [tilespmem:s16+$0xFFFFFFB0];
	_ =	sdelay $0x4  }
0xd7: {  	v0 =	vadd.f32 v1, v0;
	_ =	sdelay $0x1  }
0xd8: {  	[tilespmem:s18+$0xFFFFFFB0] =	vst v0;
	v0 =	vld [tilespmem:s18+$0xFFFFFFC0]  }
0xd9: {  	v1 =	vld [tilespmem:s16+$0xFFFFFFC0];
	_ =	sdelay $0x4  }
0xda: {  	v0 =	vadd.f32 v1, v0;
	_ =	sdelay $0x1  }
0xdb: {  	[tilespmem:s18+$0xFFFFFFC0] =	vst v0;
	v0 =	vld [tilespmem:s18+$0xFFFFFFD0]  }
0xdc: {  	v1 =	vld [tilespmem:s16+$0xFFFFFFD0];
	_ =	sdelay $0x4  }
0xdd: {  	v0 =	vadd.f32 v1, v0;
	_ =	sdelay $0x1  }
0xde: {  	[tilespmem:s18+$0xFFFFFFD0] =	vst v0;
	v0 =	vld [tilespmem:s18+$0xFFFFFFE0]  }
0xdf: {  	v1 =	vld [tilespmem:s16+$0xFFFFFFE0];
	_ =	sdelay $0x4  }
0xe0: {  	v0 =	vadd.f32 v1, v0;
	_ =	sdelay $0x1  }
0xe1: {  	[tilespmem:s18+$0xFFFFFFE0] =	vst v0;
	v0 =	vld [tilespmem:s18+$0xFFFFFFF0]  }
0xe2: {  	v1 =	vld [tilespmem:s16+$0xFFFFFFF0];
	_ =	sdelay $0x4  }
0xe3: {  	v0 =	vadd.f32 v1, v0;
	_ =	sdelay $0x1  }
0xe4: {  	[tilespmem:s18+$0xFFFFFFF0] =	vst v0;
	v0 =	vld [tilespmem:s18+$0x0]  }
0xe5: {  	v1 =	vld [tilespmem:s16+$0x0];
	_ =	sdelay $0x1  }
.Ltmp1:
0xe6: {  	(pc) =	sbr.rel @p0 .LBB2_4-.Ltmp1, $3  }
0xe7: {  	_ =	sdelay $0x1  }
0xe8: {  	v0 =	vadd.f32 v1, v0  }
0xe9: {  	s18 =	sadd.s32 $0x100, s18  }
0xea: {  	s14 =	sadd.s32 $0x1, s14  }
0xeb: {  	p0 =	sne.s32 s14, s7  }
.Ltmp2:
0xec: {  	[tilespmem:s15+$0x0] =	vst v0;
	(pc) =	sbr.rel @p0 .LBB2_1-.Ltmp2, $4  }
0xed: {  	[hbm4b:s6+s2] =	stream.linear.scatter [tilespmem:s10], [sflag:$0x2], $0x4000, $0x38;
	[tilespmem:$0x8100] =	vst v63  }
0xee: {  	_ =	swait.ge [sflag:s8], $0x4000  }
0xef: {  	[sflag:s8] =	ssyncset.done $0x0  }
0xf0: {  	[sflag:s8] =	ssyncadd.s32 $0xFFFFC000  }
0xf1: {  	_ =	sfence.sel $0x180000  }
0xf2: {  	[bflag:$0x0] =	sbarrier.arrive $0xFFFF  }
0xf3: {  	p0 =	sne.s32 s1, $0x0;
	_ =	strace $0x90000047  }
0xf4: {  	s0 =	sadd.s32 @!p0 $0x100000, s0;
	[bflag:$0x2] =	sbarrier.arrive $0xFFFF  }
0xf5: {  	[sflag:s0] =	ssyncadd.tile.s32 @!p0 $0x1;
	_ =	shalt  }
.Lfunc_end2:
_tile_overlayer_lowered:
.L_overlay_start_2:
0xf6: {  	(tag) =	ssettag $0x2  }
0xf7: {  	s0 =	rddreg [dreg:$0x0];
	s2 =	stileid.u32  }
0xf8: {  	s1 =	rddreg [dreg:$0x1];
	p0 =	sne.s32 s2, $0x0  }
0xf9: {  	s3 =	rddreg [dreg:$0x2];
	[bflag:$0x3] =	sbarrier.arrive $0xFFFF;
	s2 =	simm.s32 @!p0 $0x1C02  }
0xfa: {  	[timem:s3], [sflag:s2] =	dma.local @!p0 [hbm:s0], s1  }
0xfb: {  	s0 =	simm.s32 @!p0 $0x2  }
0xfc: {  	_ =	swait.ge @!p0 [sflag:s0], s1  }
0xfd: {  	s1 =	ssub.s32 @!p0 $0x0, s1;
	[sflag:s0] =	ssyncset.done @!p0 $0x0  }
0xfe: {  	[sflag:s0] =	ssyncadd.s32 @!p0 s1  }
0xff: {  	[bflag:$0x3] =	sbarrier.arrive $0xFFFF  }
0x100: {  	_ =	shalt  }

</sc_bundles>
